<compile_context>
chip_gen: v7x
topology: tpu7x:2x2x1
jax: 0.10.2.dev20260603
libtpu: 0.0.44.dev20260713+nightly
codegen_flags: <defaults>
</compile_context>

<pallas_src>
import functools

import jax
import jax.numpy as jnp
from jax import lax
from jax.experimental import pallas as pl
from jax.experimental.pallas import tpu as pltpu
from jax.experimental.pallas import tpu_sc as plsc

_N = 10000
_E = 320000
_D = 128
_R = 4
_T = 3
_G = 256
_H = 128

_NC = 2
_NS = 16
_NW = _NC * _NS
_EPW = _E // _NW
_C = 80
_NCH = _EPW // _C
_P = 5
_CPP = _NCH // _P
_NBUF = 2
_NAGG = 10112
_RPS = _NAGG // _NS
_ZR = 8

@functools.cache
def _make_edge_aggregate():
    mesh = plsc.VectorSubcoreMesh(
        core_axis_name="c", subcore_axis_name="s",
        num_cores=_NC, num_subcores=_NS)
    return functools.partial(
        pl.kernel,
        out_type=jax.ShapeDtypeStruct((_NC, _NAGG, _D), jnp.float32),
        mesh=mesh,
        scratch_types=[
            pltpu.VMEM((_CPP, _C), jnp.int32),
            pltpu.VMEM((_CPP, _C), jnp.int32),
            pltpu.VMEM((_CPP, _C), jnp.int32),
            pltpu.VMEM((_NBUF, _C, _D), jnp.float32),
            pltpu.VMEM((_ZR, _D), jnp.float32),
            pltpu.VMEM_SHARED((_NAGG, _D), jnp.float32),
            [pltpu.SemaphoreType.DMA] * _NBUF,
        ],
    )(_edge_aggregate_body)


def _edge_aggregate_body(tab, src_h, et_h, dst_h, out_h,
                         gib, etb, dstb, rbuf, zbuf, agg, sems):
    c = lax.axis_index("c")
    s = lax.axis_index("s")
    wid = s * _NC + c

    zvec = jnp.zeros((16,), jnp.float32)

    def _zfill(i, carry):
        zbuf[i // 8, pl.ds((i % 8) * 16, 16)] = zvec
        return carry
    lax.fori_loop(0, _ZR * (_D // 16), _zfill, 0)

    def _zcp(j, carry):
        pltpu.sync_copy(zbuf, agg.at[pl.ds(s * _RPS + j * _ZR, _ZR), :])
        return carry
    lax.fori_loop(0, _RPS // _ZR, _zcp, 0)
    plsc.subcore_barrier()

    def _fire(j, b):
        pltpu.async_copy(tab.at[gib.at[j]], rbuf.at[b], sems[b])

    def _wait(b):
        pltpu.make_async_copy(tab.at[pl.ds(0, _C)], rbuf.at[b], sems[b]).wait()

    def _scat(j, b):
        pltpu.sync_copy(rbuf.at[b], agg.at[dstb.at[j]], add=True)

    def _pass(p, carry):
        pltpu.sync_copy(src_h.at[wid, p], gib)
        pltpu.sync_copy(et_h.at[wid, p], etb)
        pltpu.sync_copy(dst_h.at[wid, p], dstb)

        def _gidx(i, carry2):
            j = i // (_C // 16)
            k = i % (_C // 16)
            sv = gib[j, pl.ds(k * 16, 16)]
            ev = etb[j, pl.ds(k * 16, 16)]
            gib[j, pl.ds(k * 16, 16)] = sv * (_R + 1) + ev
            return carry2
        lax.fori_loop(0, _CPP * (_C // 16), _gidx, 0)

        for b in range(_NBUF):
            _fire(b, b)

        def _outer(o, carry2):
            for b in range(_NBUF):
                j = o * _NBUF + b
                _wait(b)
                _scat(j, b)
                jn = j + _NBUF

                @pl.when(jn < _CPP)
                def _():
                    _fire(jn, b)
            return carry2
        lax.fori_loop(0, _CPP // _NBUF, _outer, 0)
        for j in range((_CPP // _NBUF) * _NBUF, _CPP):
            _wait(j % _NBUF)
            _scat(j, j % _NBUF)
        return carry
    lax.fori_loop(0, _P, _pass, 0)

    plsc.subcore_barrier()
    pltpu.sync_copy(agg.at[pl.ds(s * _RPS, _RPS), :],
                    out_h.at[c, pl.ds(s * _RPS, _RPS), :])


_BN = 1000


def _mm_body(x_ref, w_ref, o_ref):
    o_ref[...] = jnp.dot(x_ref[...], w_ref[...],
                         preferred_element_type=jnp.float32)


def _dense_matmul(x, w):
    n, k = x.shape
    m = w.shape[1]
    return pl.pallas_call(
        _mm_body,
        grid=(n // _BN,),
        in_specs=[pl.BlockSpec((_BN, k), lambda i: (i, 0)),
                  pl.BlockSpec((k, m), lambda i: (0, 0))],
        out_specs=pl.BlockSpec((_BN, m), lambda i: (i, 0)),
        out_shape=jax.ShapeDtypeStruct((n, m), jnp.float32),
    )(x, w)


def _layer_body(a0_ref, a1_ref, sp_ref, b_ref, w_ref, o_ref):
    h = jnp.maximum(a0_ref[...] + a1_ref[...] + sp_ref[...] + b_ref[...], 0.0)
    o_ref[...] = jnp.dot(h, w_ref[...], preferred_element_type=jnp.float32)


def _layer_matmul(a0, a1, sp, bias, w):
    n = a0.shape[0]
    m = w.shape[1]
    return pl.pallas_call(
        _layer_body,
        grid=(n // _BN,),
        in_specs=[pl.BlockSpec((_BN, _D), lambda i: (i, 0)),
                  pl.BlockSpec((_BN, _D), lambda i: (i, 0)),
                  pl.BlockSpec((_BN, _D), lambda i: (i, 0)),
                  pl.BlockSpec((1, _D), lambda i: (0, 0)),
                  pl.BlockSpec((_D, m), lambda i: (0, 0))],
        out_specs=pl.BlockSpec((_BN, m), lambda i: (i, 0)),
        out_shape=jax.ShapeDtypeStruct((n, m), jnp.float32),
    )(a0, a1, sp, bias, w)


def _finalh_body(a0_ref, a1_ref, sp_ref, b_ref, aw_ref, ab_ref, h_ref, w_ref):
    h = jnp.maximum(a0_ref[...] + a1_ref[...] + sp_ref[...] + b_ref[...], 0.0)
    h_ref[...] = h
    logits = jnp.dot(h, aw_ref[...], preferred_element_type=jnp.float32)
    w_ref[...] = jax.nn.sigmoid(logits + ab_ref[...])


def _final_h(a0, a1, sp, bias, awp, awb):
    n = a0.shape[0]
    return pl.pallas_call(
        _finalh_body,
        grid=(n // _BN,),
        in_specs=[pl.BlockSpec((_BN, _D), lambda i: (i, 0)),
                  pl.BlockSpec((_BN, _D), lambda i: (i, 0)),
                  pl.BlockSpec((_BN, _D), lambda i: (i, 0)),
                  pl.BlockSpec((1, _D), lambda i: (0, 0)),
                  pl.BlockSpec((_D, 128), lambda i: (0, 0)),
                  pl.BlockSpec((1, 128), lambda i: (0, 0))],
        out_specs=[pl.BlockSpec((_BN, _D), lambda i: (i, 0)),
                   pl.BlockSpec((_BN, 128), lambda i: (i, 0))],
        out_shape=[jax.ShapeDtypeStruct((n, _D), jnp.float32),
                   jax.ShapeDtypeStruct((n, 128), jnp.float32)],
    )(a0, a1, sp, bias, awp, awb)


_RBN = 1000
_RNB = _N // _RBN


def _readout_body(gid_ref, wm_ref, h_ref, o_ref):
    @pl.when(pl.program_id(0) == 0)
    def _():
        o_ref[...] = jnp.zeros_like(o_ref)

    gid = gid_ref[0]
    grange = lax.broadcasted_iota(jnp.int32, (_G, _RBN), 0)
    mask = (grange == gid).astype(jnp.float32)
    h = h_ref[...]
    upd = []
    for t in range(_T):
        hw = h * wm_ref[:, t:t + 1]
        upd.append(jnp.dot(mask, hw, preferred_element_type=jnp.float32))
    o_ref[...] += jnp.stack(upd, axis=0)


def _readout(gid3, wm, h):
    return pl.pallas_call(
        _readout_body,
        grid=(_RNB,),
        in_specs=[pl.BlockSpec((1, 1, _RBN), lambda i: (i, 0, 0)),
                  pl.BlockSpec((_RBN, 128), lambda i: (i, 0)),
                  pl.BlockSpec((_RBN, _D), lambda i: (i, 0))],
        out_specs=pl.BlockSpec((_T, _G, _D), lambda i: (0, 0, 0)),
        out_shape=jax.ShapeDtypeStruct((_T, _G, _D), jnp.float32),
    )(gid3, wm, h)


def _ffn_body(gf_ref, w1_ref, b1_ref, g1_ref, gb1_ref,
              w2_ref, b2_ref, g2_ref, gb2_ref,
              w3_ref, b3_ref, g3_ref, gb3_ref,
              wa_ref, ba_ref, wbp_ref, bbp_ref, o_ref):
    acc = jnp.zeros((_G, 128), jnp.float32)
    for t in range(_T):
        x = gf_ref[t]
        x = jnp.maximum(
            jnp.dot(x, w1_ref[t], preferred_element_type=jnp.float32)
            + b1_ref[t:t + 1], 0.0)
        x = x * g1_ref[t:t + 1] + gb1_ref[t:t + 1]
        x = jnp.maximum(
            jnp.dot(x, w2_ref[t], preferred_element_type=jnp.float32)
            + b2_ref[t:t + 1], 0.0)
        x = x * g2_ref[t:t + 1] + gb2_ref[t:t + 1]
        x = jnp.maximum(
            jnp.dot(x, w3_ref[t], preferred_element_type=jnp.float32)
            + b3_ref[t:t + 1], 0.0)
        x = x * g3_ref[t:t + 1] + gb3_ref[t:t + 1]
        hid = jnp.maximum(
            jnp.dot(x, wa_ref[t], preferred_element_type=jnp.float32)
            + ba_ref[t:t + 1], 0.0)
        acc = acc + jnp.dot(hid, wbp_ref[t],
                            preferred_element_type=jnp.float32)
    o_ref[...] = acc + bbp_ref[...]


def _ffn(gf, *ws):
    full = lambda a: pl.BlockSpec(a.shape, lambda: tuple(0 for _ in a.shape))
    return pl.pallas_call(
        _ffn_body,
        in_specs=[full(gf)] + [full(w) for w in ws],
        out_specs=pl.BlockSpec((_G, 128), lambda: (0, 0)),
        out_shape=jax.ShapeDtypeStruct((_G, 128), jnp.float32),
    )(gf, *ws)


def kernel(node_feats, edge_index, etype, graph_ids,
           Wrel1, Wself1, b1, Wrel2, Wself2, b2,
           aw_W, aw_b,
           fc1_W, fc1_b, bn1_g, bn1_b,
           fc2_W, fc2_b, bn2_g, bn2_b,
           fc3_W, fc3_b, bn3_g, bn3_b,
           outA_W, outA_b, outB_W, outB_b):
    f32 = jnp.float32
    src3 = edge_index[0].reshape(_NW, _P, _CPP, _C)
    dst3 = edge_index[1].reshape(_NW, _P, _CPP, _C)
    et3 = etype.reshape(_NW, _P, _CPP, _C)

    Wfull1 = jnp.concatenate(
        [Wrel1.transpose(1, 0, 2).reshape(_D, _R * _D), Wself1], axis=1)
    Wfull2 = jnp.concatenate(
        [Wrel2.transpose(1, 0, 2).reshape(_D, _R * _D), Wself2], axis=1)

    edge_agg = _make_edge_aggregate()
    unpad = lambda a: a[:_N]

    trans1 = _dense_matmul(node_feats, Wfull1)
    aggp1 = edge_agg(trans1.reshape(_N * (_R + 1), _D),
                     src3, et3, dst3)
    sp1 = trans1.reshape(_N, _R + 1, _D)[:, _R, :]

    trans2 = _layer_matmul(unpad(aggp1[0]), unpad(aggp1[1]), sp1,
                           b1.reshape(1, _D), Wfull2)
    aggp2 = edge_agg(trans2.reshape(_N * (_R + 1), _D),
                     src3, et3, dst3)
    sp2 = trans2.reshape(_N, _R + 1, _D)[:, _R, :]

    awp = jnp.zeros((_D, 128), f32).at[:, :_T].set(aw_W.T)
    awb = jnp.zeros((1, 128), f32).at[0, :_T].set(aw_b)
    h2, wm = _final_h(unpad(aggp2[0]), unpad(aggp2[1]), sp2,
                      b2.reshape(1, _D), awp, awb)

    gid3 = graph_ids.reshape(_RNB, 1, _RBN)
    gf = _readout(gid3, wm, h2)

    s0 = (1.0 + 1e-5) ** -0.5
    wbp = outB_W[:, :, None] * jnp.eye(_T, 128, dtype=f32)[:, None, :]
    bbp = jnp.zeros((1, 128), f32).at[0, :_T].set(outB_b)
    pred = _ffn(gf, fc1_W, fc1_b, bn1_g * s0, bn1_b,
                fc2_W, fc2_b, bn2_g * s0, bn2_b,
                fc3_W, fc3_b, bn3_g * s0, bn3_b,
                outA_W, outA_b, wbp, bbp)
    return pred[:, :_T]

# --- scband reference (transcript-rebuilt; emitter-appended) ---
"""Pipeline reference for scband-molecule-model-15444702396778 (READ-ONLY COPY).

The authoritative reference and input builder live on the scoring server;
editing this copy changes nothing except your own understanding.
"""

import jax, jax.numpy as jnp
import numpy as np

N = 10000   # nodes
E = 320000  # edges
D = 128     # feature / hidden dim
R = 4       # relation types (RGCN)
T = 3       # n_tasks
G = 256     # molecules in batched graph
H = 128     # classifier hidden feats


def setup_inputs(seed: int = 0) -> dict:
    key = jax.random.key(seed)
    ks = jax.random.split(key, 40)
    s = 1.0 / np.sqrt(D)
    inp = {}
    inp["node_feats"] = jax.random.normal(ks[0], (N, D), dtype=jnp.float32)
    inp["edge_index"] = jax.random.randint(ks[1], (2, E), 0, N, dtype=jnp.int32)
    inp["etype"] = jax.random.randint(ks[2], (E,), 0, R, dtype=jnp.int32)
    inp["graph_ids"] = jnp.sort(jax.random.randint(ks[3], (N,), 0, G, dtype=jnp.int32))
    # RGCN layer params (2 layers)
    inp["Wrel1"] = jax.random.normal(ks[4], (R, D, D), dtype=jnp.float32) * s
    inp["Wself1"] = jax.random.normal(ks[5], (D, D), dtype=jnp.float32) * s
    inp["b1"] = jnp.zeros((D,), dtype=jnp.float32)
    inp["Wrel2"] = jax.random.normal(ks[6], (R, D, D), dtype=jnp.float32) * s
    inp["Wself2"] = jax.random.normal(ks[7], (D, D), dtype=jnp.float32) * s
    inp["b2"] = jnp.zeros((D,), dtype=jnp.float32)
    # WeightAndSum per-task atom weighting (Linear(D,1) + Sigmoid), stacked over tasks
    inp["aw_W"] = jax.random.normal(ks[8], (T, D), dtype=jnp.float32) * s
    inp["aw_b"] = jnp.zeros((T,), dtype=jnp.float32)
    # per-task FFN: 3 x (Linear + ReLU + BatchNorm[eval]), then output (Linear+ReLU+Linear->1)
    inp["fc1_W"] = jax.random.normal(ks[9], (T, D, H), dtype=jnp.float32) * s
    inp["fc1_b"] = jnp.zeros((T, H), dtype=jnp.float32)
    inp["bn1_g"] = jnp.ones((T, H), dtype=jnp.float32)
    inp["bn1_b"] = jnp.zeros((T, H), dtype=jnp.float32)
    inp["fc2_W"] = jax.random.normal(ks[10], (T, H, H), dtype=jnp.float32) * (1.0 / np.sqrt(H))
    inp["fc2_b"] = jnp.zeros((T, H), dtype=jnp.float32)
    inp["bn2_g"] = jnp.ones((T, H), dtype=jnp.float32)
    inp["bn2_b"] = jnp.zeros((T, H), dtype=jnp.float32)
    inp["fc3_W"] = jax.random.normal(ks[11], (T, H, H), dtype=jnp.float32) * (1.0 / np.sqrt(H))
    inp["fc3_b"] = jnp.zeros((T, H), dtype=jnp.float32)
    inp["bn3_g"] = jnp.ones((T, H), dtype=jnp.float32)
    inp["bn3_b"] = jnp.zeros((T, H), dtype=jnp.float32)
    inp["outA_W"] = jax.random.normal(ks[12], (T, H, H), dtype=jnp.float32) * (1.0 / np.sqrt(H))
    inp["outA_b"] = jnp.zeros((T, H), dtype=jnp.float32)
    inp["outB_W"] = jax.random.normal(ks[13], (T, H), dtype=jnp.float32) * (1.0 / np.sqrt(H))
    inp["outB_b"] = jnp.zeros((T,), dtype=jnp.float32)
    return inp


def _rgcn_layer(x, Wrel, Wself, bias, src, dst, etype):
    # per-relation transform, then gather per-edge message by (etype, src), scatter-add to dst
    trans = jnp.einsum('nf,rfo->rno', x, Wrel)          # [R, N, D]
    msg = trans[etype, src]                              # gather -> [E, D]
    agg = jax.ops.segment_sum(msg, dst, num_segments=N)  # scatter-add -> [N, D]
    h = agg + x @ Wself + bias
    return jax.nn.relu(h)


def _bn_eval(x, g, b):
    # BatchNorm1d in eval mode with default running stats (mean=0, var=1)
    return x / jnp.sqrt(1.0 + 1e-5) * g + b


def reference(node_feats, edge_index, etype, graph_ids,
              Wrel1, Wself1, b1, Wrel2, Wself2, b2,
              aw_W, aw_b,
              fc1_W, fc1_b, bn1_g, bn1_b,
              fc2_W, fc2_b, bn2_g, bn2_b,
              fc3_W, fc3_b, bn3_g, bn3_b,
              outA_W, outA_b, outB_W, outB_b):
    src = edge_index[0]
    dst = edge_index[1]
    h = _rgcn_layer(node_feats, Wrel1, Wself1, b1, src, dst, etype)
    h = _rgcn_layer(h, Wrel2, Wself2, b2, src, dst, etype)
    # WeightAndSum readout, per task
    w = jax.nn.sigmoid(jnp.einsum('nd,td->tn', h, aw_W) + aw_b[:, None])   # [T, N]
    weighted = w[:, :, None] * h[None, :, :]                                # [T, N, D]
    graph_feats = jax.vmap(lambda v: jax.ops.segment_sum(v, graph_ids, num_segments=G))(weighted)  # [T, G, D]
    # per-task FFN (Dropout is identity in eval)
    h1 = _bn_eval(jax.nn.relu(jnp.einsum('tgd,tdo->tgo', graph_feats, fc1_W) + fc1_b[:, None, :]), bn1_g[:, None, :], bn1_b[:, None, :])
    h2 = _bn_eval(jax.nn.relu(jnp.einsum('tgd,tdo->tgo', h1, fc2_W) + fc2_b[:, None, :]), bn2_g[:, None, :], bn2_b[:, None, :])
    h3 = _bn_eval(jax.nn.relu(jnp.einsum('tgd,tdo->tgo', h2, fc3_W) + fc3_b[:, None, :]), bn3_g[:, None, :], bn3_b[:, None, :])
    hid = jax.nn.relu(jnp.einsum('tgd,tdo->tgo', h3, outA_W) + outA_b[:, None, :])
    pred = jnp.einsum('tgo,to->tg', hid, outB_W) + outB_b[:, None]          # [T, G]
    prediction_all = pred.T                                                  # [G, T]
    return prediction_all

if __name__ == "__main__":
    import jax
    _d = setup_inputs()
    print(jax.jit(kernel)(*tuple(_d.values())))

</pallas_src>

<mosaic_0001>
#map = affine_map<(d0, d1) -> (0, 0)>
#map1 = affine_map<(d0, d1) -> (0, 0, 0, 0)>
#map2 = affine_map<(d0, d1) -> (0, 0, 0)>
module attributes {stable_mosaic.version = 14 : i64} {
  func.func @_edge_aggregate_body(%arg0: i32, %arg1: i32, %arg2: memref<50000x128xf32, #tpu.memory_space<hbm>>, %arg3: memref<32x5x25x80xi32, #tpu.memory_space<hbm>>, %arg4: memref<32x5x25x80xi32, #tpu.memory_space<hbm>>, %arg5: memref<32x5x25x80xi32, #tpu.memory_space<hbm>>, %arg6: memref<2x10112x128xf32, #tpu.memory_space<hbm>>, %arg7: memref<25x80xi32, #tpu.memory_space<vmem>>, %arg8: memref<25x80xi32, #tpu.memory_space<vmem>>, %arg9: memref<25x80xi32, #tpu.memory_space<vmem>>, %arg10: memref<2x80x128xf32, #tpu.memory_space<vmem>>, %arg11: memref<8x128xf32, #tpu.memory_space<vmem>>, %arg12: memref<10112x128xf32, #tpu.memory_space<vmem_shared>>, %arg13: memref<!tpu.dma_semaphore, #tpu.memory_space<semaphore_mem>>, %arg14: memref<!tpu.dma_semaphore, #tpu.memory_space<semaphore_mem>>) attributes {dimension_semantics = [#tpu.dimension_semantics<core_parallel>, #tpu.dimension_semantics<subcore_parallel>], iteration_bounds = array<i64: 2, 16>, scalar_prefetch = 0 : i64, scratch_operands = 8 : i64, tpu.core_type = #tpu.core_type<sc_vector_subcore>, window_params = [{transform_indices = #map}, {transform_indices = #map1}, {transform_indices = #map1}, {transform_indices = #map1}, {transform_indices = #map2}]} {
    %mul3A = arith.constant 2 : i32
    %mul3A_0 = arith.muli %arg1, %mul3A : i32
    %add3A = arith.addi %mul3A_0, %arg0 : i32
    %broadcast_in_dim3A = arith.constant 0.000000e+00 : f32
    %broadcast_in_dim3A_1 = vector.broadcast %broadcast_in_dim3A : f32 to vector<16xf32>
    %scan3A = arith.constant 0 : i32
    %scan3A_2 = arith.constant 0 : i32
    %scan3A_3 = arith.constant 64 : i32
    %scan3A_4 = arith.addi %scan3A_2, %scan3A_3 : i32
    %scan3A_5 = arith.constant 1 : i32
    scf.for %scan3A_24 = %scan3A_2 to %scan3A_4 step %scan3A_5  : i32 {
      %jit3A = arith.constant 8 : i32
      %div3A = arith.divsi %scan3A_24, %jit3A : i32
      %sign3A = arith.constant 0 : i32
      %sign3A_25 = arith.cmpi sgt, %scan3A_24, %sign3A : i32
      %sign3A_26 = arith.extui %sign3A_25 : i1 to i32
      %sign3A_27 = arith.constant 0 : i32
      %sign3A_28 = arith.cmpi slt, %scan3A_24, %sign3A_27 : i32
      %sign3A_29 = arith.extui %sign3A_28 : i1 to i32
      %sign3A_30 = arith.subi %sign3A_26, %sign3A_29 : i32
      %sign3A_31 = arith.constant 0 : i32
      %sign3A_32 = arith.cmpi sgt, %jit3A, %sign3A_31 : i32
      %sign3A_33 = arith.extui %sign3A_32 : i1 to i32
      %sign3A_34 = arith.constant 0 : i32
      %sign3A_35 = arith.cmpi slt, %jit3A, %sign3A_34 : i32
      %sign3A_36 = arith.extui %sign3A_35 : i1 to i32
      %sign3A_37 = arith.subi %sign3A_33, %sign3A_36 : i32
      %ne3A = arith.cmpi ne, %sign3A_30, %sign3A_37 : i32
      %rem3A = arith.remsi %scan3A_24, %jit3A : i32
      %ne3A_38 = arith.constant 0 : i32
      %ne3A_39 = arith.cmpi ne, %rem3A, %ne3A_38 : i32
      %and3A = arith.andi %ne3A, %ne3A_39 : i1
      %sub3A = arith.constant 1 : i32
      %sub3A_40 = arith.subi %div3A, %sub3A : i32
      %select_n3A = arith.select %and3A, %sub3A_40, %div3A : i32
      %jit3A_41 = arith.constant 8 : i32
      %eq3A = arith.constant 0 : i32
      %eq3A_42 = arith.cmpi eq, %jit3A_41, %eq3A : i32
      %jit3A_43 = arith.constant 1 : i32
      %select_n3A_44 = arith.select %eq3A_42, %jit3A_43, %jit3A_41 : i32
      %rem3A_45 = arith.remsi %scan3A_24, %select_n3A_44 : i32
      %ne3A_46 = arith.constant 0 : i32
      %ne3A_47 = arith.cmpi ne, %rem3A_45, %ne3A_46 : i32
      %lt3A = arith.constant 0 : i32
      %lt3A_48 = arith.cmpi slt, %rem3A_45, %lt3A : i32
      %lt3A_49 = arith.constant 0 : i32
      %lt3A_50 = arith.cmpi slt, %select_n3A_44, %lt3A_49 : i32
      %ne3A_51 = arith.xori %lt3A_48, %lt3A_50 : i1
      %and3A_52 = arith.andi %ne3A_51, %ne3A_47 : i1
      %add3A_53 = arith.addi %rem3A_45, %select_n3A_44 : i32
      %select_n3A_54 = arith.select %and3A_52, %add3A_53, %rem3A_45 : i32
      %mul3A_55 = arith.constant 16 : i32
      %mul3A_56 = arith.muli %select_n3A_54, %mul3A_55 : i32
      %swap3A = arith.index_cast %select_n3A : i32 to index
      %swap3A_57 = arith.index_cast %mul3A_56 : i32 to index
      %swap3A_58 = tpu.vector_load %arg11[%swap3A, %swap3A_57] {strides = array<i32>} : memref<8x128xf32, #tpu.memory_space<vmem>>, vector<1x16xf32>,
      %swap3A_59 = vector.shape_cast %swap3A_58 : vector<1x16xf32> to vector<16xf32>
      %swap3A_60 = vector.shape_cast %broadcast_in_dim3A_1 : vector<16xf32> to vector<1x16xf32>
      tpu.vector_store %arg11[%swap3A, %swap3A_57], %swap3A_60 {strides = array<i32>} : memref<8x128xf32, #tpu.memory_space<vmem>>, vector<1x16xf32>,
    }
    %scan3A_6 = arith.constant 64 : i32
    %scan3A_7 = arith.constant 0 : i32
    %scan3A_8 = arith.constant 0 : i32
    %scan3A_9 = arith.constant 79 : i32
    %scan3A_10 = arith.addi %scan3A_8, %scan3A_9 : i32
    %scan3A_11 = arith.constant 1 : i32
    scf.for %scan3A_24 = %scan3A_8 to %scan3A_10 step %scan3A_11  : i32 {
      %mul3A_25 = arith.constant 632 : i32
      %mul3A_26 = arith.muli %arg1, %mul3A_25 : i32
      %mul3A_27 = arith.constant 8 : i32
      %mul3A_28 = arith.muli %scan3A_24, %mul3A_27 : i32
      %add3A_29 = arith.addi %mul3A_26, %mul3A_28 : i32
      "tpu.region"() ({
        %run_scoped3A = tpu.sem_alloc : memref<!tpu.dma_semaphore, #tpu.memory_space<semaphore_mem>>
        %dma_start3A = arith.constant 0 : i32
        %dma_start3A_30 = tpu.memref_slice %arg12[%add3A_29, %dma_start3A] : memref<10112x128xf32, #tpu.memory_space<vmem_shared>> -> memref<8x128xf32, #tpu.memory_space<vmem_shared>>
        %dma_start3A_31 = arith.constant 0 : i32
        %dma_start3A_32 = tpu.memref_slice %arg12[%add3A_29, %dma_start3A_31] : memref<10112x128xf32, #tpu.memory_space<vmem_shared>> -> memref<8x128xf32, #tpu.memory_space<vmem_shared>>
        tpu.enqueue_dma source(%arg11 : memref<8x128xf32, #tpu.memory_space<vmem>>) target(%dma_start3A_32 : memref<8x128xf32, #tpu.memory_space<vmem_shared>>) target_semaphore(%run_scoped3A : memref<!tpu.dma_semaphore, #tpu.memory_space<semaphore_mem>>)
        %dma_wait3A = arith.constant 0 : i32
        %dma_wait3A_33 = tpu.memref_slice %arg12[%add3A_29, %dma_wait3A] : memref<10112x128xf32, #tpu.memory_space<vmem_shared>> -> memref<8x128xf32, #tpu.memory_space<vmem_shared>>
        %dma_wait3A_34 = arith.constant 0 : i32
        %dma_wait3A_35 = tpu.memref_slice %arg12[%add3A_29, %dma_wait3A_34] : memref<10112x128xf32, #tpu.memory_space<vmem_shared>> -> memref<8x128xf32, #tpu.memory_space<vmem_shared>>
        tpu.wait_dma2 semaphore(%run_scoped3A : memref<!tpu.dma_semaphore, #tpu.memory_space<semaphore_mem>>) src(%arg11 : memref<8x128xf32, #tpu.memory_space<vmem>>) dst(%dma_wait3A_35 : memref<8x128xf32, #tpu.memory_space<vmem_shared>>)
        tpu.yield
      }) : () -> ()
    }
    %scan3A_12 = arith.constant 79 : i32
    %barrier3A = arith.constant 0 : index
    tpu.barrier barrier_id(%barrier3A)
    %scan3A_13 = arith.constant 0 : i32
    %scan3A_14 = arith.constant 0 : i32
    %scan3A_15 = arith.constant 5 : i32
    %scan3A_16 = arith.addi %scan3A_14, %scan3A_15 : i32
    %scan3A_17 = arith.constant 1 : i32
    scf.for %scan3A_24 = %scan3A_14 to %scan3A_16 step %scan3A_17  : i32 {
      "tpu.region"() ({
        %run_scoped3A_75 = tpu.sem_alloc : memref<!tpu.dma_semaphore, #tpu.memory_space<semaphore_mem>>
        %dma_start3A_76 = arith.constant 0 : i32
        %dma_start3A_77 = arith.constant 0 : i32
        %dma_start3A_78 = tpu.memref_slice %arg3[%add3A, %scan3A_24, %dma_start3A_76, %dma_start3A_77] : memref<32x5x25x80xi32, #tpu.memory_space<hbm>> -> memref<1x1x25x80xi32, #tpu.memory_space<hbm>>
        %dma_start3A_79 = tpu.memref_squeeze %dma_start3A_78 : memref<1x1x25x80xi32, #tpu.memory_space<hbm>> -> memref<25x80xi32, #tpu.memory_space<hbm>>
        %dma_start3A_80 = arith.constant 0 : i32
        %dma_start3A_81 = arith.constant 0 : i32
        %dma_start3A_82 = tpu.memref_slice %arg3[%add3A, %scan3A_24, %dma_start3A_80, %dma_start3A_81] : memref<32x5x25x80xi32, #tpu.memory_space<hbm>> -> memref<1x1x25x80xi32, #tpu.memory_space<hbm>>
        %dma_start3A_83 = tpu.memref_squeeze %dma_start3A_82 : memref<1x1x25x80xi32, #tpu.memory_space<hbm>> -> memref<25x80xi32, #tpu.memory_space<hbm>>
        tpu.enqueue_dma source(%dma_start3A_83 : memref<25x80xi32, #tpu.memory_space<hbm>>) target(%arg7 : memref<25x80xi32, #tpu.memory_space<vmem>>) target_semaphore(%run_scoped3A_75 : memref<!tpu.dma_semaphore, #tpu.memory_space<semaphore_mem>>)
        %dma_wait3A_84 = arith.constant 0 : i32
        %dma_wait3A_85 = arith.constant 0 : i32
        %dma_wait3A_86 = tpu.memref_slice %arg3[%add3A, %scan3A_24, %dma_wait3A_84, %dma_wait3A_85] : memref<32x5x25x80xi32, #tpu.memory_space<hbm>> -> memref<1x1x25x80xi32, #tpu.memory_space<hbm>>
        %dma_wait3A_87 = tpu.memref_squeeze %dma_wait3A_86 : memref<1x1x25x80xi32, #tpu.memory_space<hbm>> -> memref<25x80xi32, #tpu.memory_space<hbm>>
        %dma_wait3A_88 = arith.constant 0 : i32
        %dma_wait3A_89 = arith.constant 0 : i32
        %dma_wait3A_90 = tpu.memref_slice %arg3[%add3A, %scan3A_24, %dma_wait3A_88, %dma_wait3A_89] : memref<32x5x25x80xi32, #tpu.memory_space<hbm>> -> memref<1x1x25x80xi32, #tpu.memory_space<hbm>>
        %dma_wait3A_91 = tpu.memref_squeeze %dma_wait3A_90 : memref<1x1x25x80xi32, #tpu.memory_space<hbm>> -> memref<25x80xi32, #tpu.memory_space<hbm>>
        tpu.wait_dma2 semaphore(%run_scoped3A_75 : memref<!tpu.dma_semaphore, #tpu.memory_space<semaphore_mem>>) src(%dma_wait3A_91 : memref<25x80xi32, #tpu.memory_space<hbm>>) dst(%arg7 : memref<25x80xi32, #tpu.memory_space<vmem>>)
        tpu.yield
      }) : () -> ()
      "tpu.region"() ({
        %run_scoped3A_75 = tpu.sem_alloc : memref<!tpu.dma_semaphore, #tpu.memory_space<semaphore_mem>>
        %dma_start3A_76 = arith.constant 0 : i32
        %dma_start3A_77 = arith.constant 0 : i32
        %dma_start3A_78 = tpu.memref_slice %arg4[%add3A, %scan3A_24, %dma_start3A_76, %dma_start3A_77] : memref<32x5x25x80xi32, #tpu.memory_space<hbm>> -> memref<1x1x25x80xi32, #tpu.memory_space<hbm>>
        %dma_start3A_79 = tpu.memref_squeeze %dma_start3A_78 : memref<1x1x25x80xi32, #tpu.memory_space<hbm>> -> memref<25x80xi32, #tpu.memory_space<hbm>>
        %dma_start3A_80 = arith.constant 0 : i32
        %dma_start3A_81 = arith.constant 0 : i32
        %dma_start3A_82 = tpu.memref_slice %arg4[%add3A, %scan3A_24, %dma_start3A_80, %dma_start3A_81] : memref<32x5x25x80xi32, #tpu.memory_space<hbm>> -> memref<1x1x25x80xi32, #tpu.memory_space<hbm>>
        %dma_start3A_83 = tpu.memref_squeeze %dma_start3A_82 : memref<1x1x25x80xi32, #tpu.memory_space<hbm>> -> memref<25x80xi32, #tpu.memory_space<hbm>>
        tpu.enqueue_dma source(%dma_start3A_83 : memref<25x80xi32, #tpu.memory_space<hbm>>) target(%arg8 : memref<25x80xi32, #tpu.memory_space<vmem>>) target_semaphore(%run_scoped3A_75 : memref<!tpu.dma_semaphore, #tpu.memory_space<semaphore_mem>>)
        %dma_wait3A_84 = arith.constant 0 : i32
        %dma_wait3A_85 = arith.constant 0 : i32
        %dma_wait3A_86 = tpu.memref_slice %arg4[%add3A, %scan3A_24, %dma_wait3A_84, %dma_wait3A_85] : memref<32x5x25x80xi32, #tpu.memory_space<hbm>> -> memref<1x1x25x80xi32, #tpu.memory_space<hbm>>
        %dma_wait3A_87 = tpu.memref_squeeze %dma_wait3A_86 : memref<1x1x25x80xi32, #tpu.memory_space<hbm>> -> memref<25x80xi32, #tpu.memory_space<hbm>>
        %dma_wait3A_88 = arith.constant 0 : i32
        %dma_wait3A_89 = arith.constant 0 : i32
        %dma_wait3A_90 = tpu.memref_slice %arg4[%add3A, %scan3A_24, %dma_wait3A_88, %dma_wait3A_89] : memref<32x5x25x80xi32, #tpu.memory_space<hbm>> -> memref<1x1x25x80xi32, #tpu.memory_space<hbm>>
        %dma_wait3A_91 = tpu.memref_squeeze %dma_wait3A_90 : memref<1x1x25x80xi32, #tpu.memory_space<hbm>> -> memref<25x80xi32, #tpu.memory_space<hbm>>
        tpu.wait_dma2 semaphore(%run_scoped3A_75 : memref<!tpu.dma_semaphore, #tpu.memory_space<semaphore_mem>>) src(%dma_wait3A_91 : memref<25x80xi32, #tpu.memory_space<hbm>>) dst(%arg8 : memref<25x80xi32, #tpu.memory_space<vmem>>)
        tpu.yield
      }) : () -> ()
      "tpu.region"() ({
        %run_scoped3A_75 = tpu.sem_alloc : memref<!tpu.dma_semaphore, #tpu.memory_space<semaphore_mem>>
        %dma_start3A_76 = arith.constant 0 : i32
        %dma_start3A_77 = arith.constant 0 : i32
        %dma_start3A_78 = tpu.memref_slice %arg5[%add3A, %scan3A_24, %dma_start3A_76, %dma_start3A_77] : memref<32x5x25x80xi32, #tpu.memory_space<hbm>> -> memref<1x1x25x80xi32, #tpu.memory_space<hbm>>
        %dma_start3A_79 = tpu.memref_squeeze %dma_start3A_78 : memref<1x1x25x80xi32, #tpu.memory_space<hbm>> -> memref<25x80xi32, #tpu.memory_space<hbm>>
        %dma_start3A_80 = arith.constant 0 : i32
        %dma_start3A_81 = arith.constant 0 : i32
        %dma_start3A_82 = tpu.memref_slice %arg5[%add3A, %scan3A_24, %dma_start3A_80, %dma_start3A_81] : memref<32x5x25x80xi32, #tpu.memory_space<hbm>> -> memref<1x1x25x80xi32, #tpu.memory_space<hbm>>
        %dma_start3A_83 = tpu.memref_squeeze %dma_start3A_82 : memref<1x1x25x80xi32, #tpu.memory_space<hbm>> -> memref<25x80xi32, #tpu.memory_space<hbm>>
        tpu.enqueue_dma source(%dma_start3A_83 : memref<25x80xi32, #tpu.memory_space<hbm>>) target(%arg9 : memref<25x80xi32, #tpu.memory_space<vmem>>) target_semaphore(%run_scoped3A_75 : memref<!tpu.dma_semaphore, #tpu.memory_space<semaphore_mem>>)
        %dma_wait3A_84 = arith.constant 0 : i32
        %dma_wait3A_85 = arith.constant 0 : i32
        %dma_wait3A_86 = tpu.memref_slice %arg5[%add3A, %scan3A_24, %dma_wait3A_84, %dma_wait3A_85] : memref<32x5x25x80xi32, #tpu.memory_space<hbm>> -> memref<1x1x25x80xi32, #tpu.memory_space<hbm>>
        %dma_wait3A_87 = tpu.memref_squeeze %dma_wait3A_86 : memref<1x1x25x80xi32, #tpu.memory_space<hbm>> -> memref<25x80xi32, #tpu.memory_space<hbm>>
        %dma_wait3A_88 = arith.constant 0 : i32
        %dma_wait3A_89 = arith.constant 0 : i32
        %dma_wait3A_90 = tpu.memref_slice %arg5[%add3A, %scan3A_24, %dma_wait3A_88, %dma_wait3A_89] : memref<32x5x25x80xi32, #tpu.memory_space<hbm>> -> memref<1x1x25x80xi32, #tpu.memory_space<hbm>>
        %dma_wait3A_91 = tpu.memref_squeeze %dma_wait3A_90 : memref<1x1x25x80xi32, #tpu.memory_space<hbm>> -> memref<25x80xi32, #tpu.memory_space<hbm>>
        tpu.wait_dma2 semaphore(%run_scoped3A_75 : memref<!tpu.dma_semaphore, #tpu.memory_space<semaphore_mem>>) src(%dma_wait3A_91 : memref<25x80xi32, #tpu.memory_space<hbm>>) dst(%arg9 : memref<25x80xi32, #tpu.memory_space<vmem>>)
        tpu.yield
      }) : () -> ()
      %scan3A_25 = arith.constant 0 : i32
      %scan3A_26 = arith.constant 0 : i32
      %scan3A_27 = arith.constant 125 : i32
      %scan3A_28 = arith.addi %scan3A_26, %scan3A_27 : i32
      %scan3A_29 = arith.constant 1 : i32
      scf.for %scan3A_75 = %scan3A_26 to %scan3A_28 step %scan3A_29  : i32 {
        %jit3A = arith.constant 5 : i32
        %div3A = arith.divsi %scan3A_75, %jit3A : i32
        %sign3A = arith.constant 0 : i32
        %sign3A_76 = arith.cmpi sgt, %scan3A_75, %sign3A : i32
        %sign3A_77 = arith.extui %sign3A_76 : i1 to i32
        %sign3A_78 = arith.constant 0 : i32
        %sign3A_79 = arith.cmpi slt, %scan3A_75, %sign3A_78 : i32
        %sign3A_80 = arith.extui %sign3A_79 : i1 to i32
        %sign3A_81 = arith.subi %sign3A_77, %sign3A_80 : i32
        %sign3A_82 = arith.constant 0 : i32
        %sign3A_83 = arith.cmpi sgt, %jit3A, %sign3A_82 : i32
        %sign3A_84 = arith.extui %sign3A_83 : i1 to i32
        %sign3A_85 = arith.constant 0 : i32
        %sign3A_86 = arith.cmpi slt, %jit3A, %sign3A_85 : i32
        %sign3A_87 = arith.extui %sign3A_86 : i1 to i32
        %sign3A_88 = arith.subi %sign3A_84, %sign3A_87 : i32
        %ne3A = arith.cmpi ne, %sign3A_81, %sign3A_88 : i32
        %rem3A = arith.remsi %scan3A_75, %jit3A : i32
        %ne3A_89 = arith.constant 0 : i32
        %ne3A_90 = arith.cmpi ne, %rem3A, %ne3A_89 : i32
        %and3A = arith.andi %ne3A, %ne3A_90 : i1
        %sub3A = arith.constant 1 : i32
        %sub3A_91 = arith.subi %div3A, %sub3A : i32
        %select_n3A = arith.select %and3A, %sub3A_91, %div3A : i32
        %jit3A_92 = arith.constant 5 : i32
        %eq3A = arith.constant 0 : i32
        %eq3A_93 = arith.cmpi eq, %jit3A_92, %eq3A : i32
        %jit3A_94 = arith.constant 1 : i32
        %select_n3A_95 = arith.select %eq3A_93, %jit3A_94, %jit3A_92 : i32
        %rem3A_96 = arith.remsi %scan3A_75, %select_n3A_95 : i32
        %ne3A_97 = arith.constant 0 : i32
        %ne3A_98 = arith.cmpi ne, %rem3A_96, %ne3A_97 : i32
        %lt3A = arith.constant 0 : i32
        %lt3A_99 = arith.cmpi slt, %rem3A_96, %lt3A : i32
        %lt3A_100 = arith.constant 0 : i32
        %lt3A_101 = arith.cmpi slt, %select_n3A_95, %lt3A_100 : i32
        %ne3A_102 = arith.xori %lt3A_99, %lt3A_101 : i1
        %and3A_103 = arith.andi %ne3A_102, %ne3A_98 : i1
        %add3A_104 = arith.addi %rem3A_96, %select_n3A_95 : i32
        %select_n3A_105 = arith.select %and3A_103, %add3A_104, %rem3A_96 : i32
        %mul3A_106 = arith.constant 16 : i32
        %mul3A_107 = arith.muli %select_n3A_105, %mul3A_106 : i32
        %get3A = arith.index_cast %select_n3A : i32 to index
        %get3A_108 = arith.index_cast %mul3A_107 : i32 to index
        %get3A_109 = tpu.vector_load %arg7[%get3A, %get3A_108] {strides = array<i32>} : memref<25x80xi32, #tpu.memory_space<vmem>>, vector<1x16xi32>,
        %get3A_110 = vector.shape_cast %get3A_109 : vector<1x16xi32> to vector<16xi32>
        %mul3A_111 = arith.constant 16 : i32
        %mul3A_112 = arith.muli %select_n3A_105, %mul3A_111 : i32
        %get3A_113 = arith.index_cast %select_n3A : i32 to index
        %get3A_114 = arith.index_cast %mul3A_112 : i32 to index
        %get3A_115 = tpu.vector_load %arg8[%get3A_113, %get3A_114] {strides = array<i32>} : memref<25x80xi32, #tpu.memory_space<vmem>>, vector<1x16xi32>,
        %get3A_116 = vector.shape_cast %get3A_115 : vector<1x16xi32> to vector<16xi32>
        %mul3A_117 = arith.constant 5 : i32
        %mul3A_118 = vector.broadcast %mul3A_117 : i32 to vector<16xi32>
        %mul3A_119 = arith.muli %get3A_110, %mul3A_118 : vector<16xi32>
        %add3A_120 = arith.addi %mul3A_119, %get3A_116 : vector<16xi32>
        %mul3A_121 = arith.constant 16 : i32
        %mul3A_122 = arith.muli %select_n3A_105, %mul3A_121 : i32
        %swap3A = arith.index_cast %select_n3A : i32 to index
        %swap3A_123 = arith.index_cast %mul3A_122 : i32 to index
        %swap3A_124 = tpu.vector_load %arg7[%swap3A, %swap3A_123] {strides = array<i32>} : memref<25x80xi32, #tpu.memory_space<vmem>>, vector<1x16xi32>,
        %swap3A_125 = vector.shape_cast %swap3A_124 : vector<1x16xi32> to vector<16xi32>
        %swap3A_126 = vector.shape_cast %add3A_120 : vector<16xi32> to vector<1x16xi32>
        tpu.vector_store %arg7[%swap3A, %swap3A_123], %swap3A_126 {strides = array<i32>} : memref<25x80xi32, #tpu.memory_space<vmem>>, vector<1x16xi32>,
      }
      %scan3A_30 = arith.constant 125 : i32
      %dma_start3A = arith.constant 0 : i32
      %dma_start3A_31 = arith.constant 0 : i32
      %dma_start3A_32 = arith.constant 0 : i32
      %dma_start3A_33 = arith.constant 0 : i32
      %dma_start3A_34 = tpu.memref_slice %arg10[%dma_start3A_31, %dma_start3A_32, %dma_start3A_33] : memref<2x80x128xf32, #tpu.memory_space<vmem>> -> memref<1x80x128xf32, #tpu.memory_space<vmem>>
      %dma_start3A_35 = tpu.memref_squeeze %dma_start3A_34 : memref<1x80x128xf32, #tpu.memory_space<vmem>> -> memref<80x128xf32, #tpu.memory_space<vmem>>
      %dma_start3A_36 = arith.constant 0 : i32
      %dma_start3A_37 = tpu.memref_slice %arg7[%dma_start3A, %dma_start3A_36] : memref<25x80xi32, #tpu.memory_space<vmem>> -> memref<1x80xi32, #tpu.memory_space<vmem>>
      %dma_start3A_38 = tpu.memref_squeeze %dma_start3A_37 : memref<1x80xi32, #tpu.memory_space<vmem>> -> memref<80xi32, #tpu.memory_space<vmem>>
      %dma_start3A_39 = arith.constant 0 : i32
      %dma_start3A_40 = arith.constant 0 : i32
      %dma_start3A_41 = tpu.memref_slice %arg2[%dma_start3A_39, %dma_start3A_40] : memref<50000x128xf32, #tpu.memory_space<hbm>> -> memref<50000x128xf32, #tpu.memory_space<hbm>>
      tpu.enqueue_indirect_dma source(%dma_start3A_41 : memref<50000x128xf32, #tpu.memory_space<hbm>>) target(%dma_start3A_35 : memref<80x128xf32, #tpu.memory_space<vmem>>) offsets(%dma_start3A_38 : memref<80xi32, #tpu.memory_space<vmem>>) semaphore(%arg13 : memref<!tpu.dma_semaphore, #tpu.memory_space<semaphore_mem>>)
      %dma_start3A_42 = arith.constant 1 : i32
      %dma_start3A_43 = arith.constant 1 : i32
      %dma_start3A_44 = arith.constant 0 : i32
      %dma_start3A_45 = arith.constant 0 : i32
      %dma_start3A_46 = tpu.memref_slice %arg10[%dma_start3A_43, %dma_start3A_44, %dma_start3A_45] : memref<2x80x128xf32, #tpu.memory_space<vmem>> -> memref<1x80x128xf32, #tpu.memory_space<vmem>>
      %dma_start3A_47 = tpu.memref_squeeze %dma_start3A_46 : memref<1x80x128xf32, #tpu.memory_space<vmem>> -> memref<80x128xf32, #tpu.memory_space<vmem>>
      %dma_start3A_48 = arith.constant 0 : i32
      %dma_start3A_49 = tpu.memref_slice %arg7[%dma_start3A_42, %dma_start3A_48] : memref<25x80xi32, #tpu.memory_space<vmem>> -> memref<1x80xi32, #tpu.memory_space<vmem>>
      %dma_start3A_50 = tpu.memref_squeeze %dma_start3A_49 : memref<1x80xi32, #tpu.memory_space<vmem>> -> memref<80xi32, #tpu.memory_space<vmem>>
      %dma_start3A_51 = arith.constant 0 : i32
      %dma_start3A_52 = arith.constant 0 : i32
      %dma_start3A_53 = tpu.memref_slice %arg2[%dma_start3A_51, %dma_start3A_52] : memref<50000x128xf32, #tpu.memory_space<hbm>> -> memref<50000x128xf32, #tpu.memory_space<hbm>>
      tpu.enqueue_indirect_dma source(%dma_start3A_53 : memref<50000x128xf32, #tpu.memory_space<hbm>>) target(%dma_start3A_47 : memref<80x128xf32, #tpu.memory_space<vmem>>) offsets(%dma_start3A_50 : memref<80xi32, #tpu.memory_space<vmem>>) semaphore(%arg14 : memref<!tpu.dma_semaphore, #tpu.memory_space<semaphore_mem>>)
      %scan3A_54 = arith.constant 0 : i32
      %scan3A_55 = arith.constant 0 : i32
      %scan3A_56 = arith.constant 12 : i32
      %scan3A_57 = arith.addi %scan3A_55, %scan3A_56 : i32
      %scan3A_58 = arith.constant 1 : i32
      scf.for %scan3A_75 = %scan3A_55 to %scan3A_57 step %scan3A_58  : i32 {
        %mul3A_76 = arith.constant 2 : i32
        %mul3A_77 = arith.muli %scan3A_75, %mul3A_76 : i32
        %add3A_78 = arith.constant 0 : i32
        %add3A_79 = arith.addi %mul3A_77, %add3A_78 : i32
        %dma_wait3A_80 = arith.constant 0 : i32
        %dma_wait3A_81 = arith.constant 0 : i32
        %dma_wait3A_82 = arith.constant 0 : i32
        %dma_wait3A_83 = tpu.memref_slice %arg10[%dma_wait3A_80, %dma_wait3A_81, %dma_wait3A_82] : memref<2x80x128xf32, #tpu.memory_space<vmem>> -> memref<1x80x128xf32, #tpu.memory_space<vmem>>
        %dma_wait3A_84 = tpu.memref_squeeze %dma_wait3A_83 : memref<1x80x128xf32, #tpu.memory_space<vmem>> -> memref<80x128xf32, #tpu.memory_space<vmem>>
        %dma_wait3A_85 = arith.constant 0 : i32
        %dma_wait3A_86 = arith.constant 0 : i32
        %dma_wait3A_87 = tpu.memref_slice %arg2[%dma_wait3A_85, %dma_wait3A_86] : memref<50000x128xf32, #tpu.memory_space<hbm>> -> memref<80x128xf32, #tpu.memory_space<hbm>>
        %dma_wait3A_88 = arith.constant 0 : i32
        %dma_wait3A_89 = arith.constant 0 : i32
        %dma_wait3A_90 = tpu.memref_slice %arg10[%dma_wait3A_80, %dma_wait3A_88, %dma_wait3A_89] : memref<2x80x128xf32, #tpu.memory_space<vmem>> -> memref<1x80x128xf32, #tpu.memory_space<vmem>>
        %dma_wait3A_91 = tpu.memref_squeeze %dma_wait3A_90 : memref<1x80x128xf32, #tpu.memory_space<vmem>> -> memref<80x128xf32, #tpu.memory_space<vmem>>
        %dma_wait3A_92 = arith.constant 0 : i32
        %dma_wait3A_93 = arith.constant 0 : i32
        %dma_wait3A_94 = tpu.memref_slice %arg2[%dma_wait3A_92, %dma_wait3A_93] : memref<50000x128xf32, #tpu.memory_space<hbm>> -> memref<80x128xf32, #tpu.memory_space<hbm>>
        tpu.wait_dma2 semaphore(%arg13 : memref<!tpu.dma_semaphore, #tpu.memory_space<semaphore_mem>>) src(%dma_wait3A_94 : memref<80x128xf32, #tpu.memory_space<hbm>>) dst(%dma_wait3A_91 : memref<80x128xf32, #tpu.memory_space<vmem>>)
        %run_scoped3A_95 = arith.constant 0 : i32
        "tpu.region"() ({
          %run_scoped3A_127 = tpu.sem_alloc : memref<!tpu.dma_semaphore, #tpu.memory_space<semaphore_mem>>
          %dma_start3A_128 = arith.constant 0 : i32
          %dma_start3A_129 = arith.constant 0 : i32
          %dma_start3A_130 = tpu.memref_slice %arg10[%run_scoped3A_95, %dma_start3A_128, %dma_start3A_129] : memref<2x80x128xf32, #tpu.memory_space<vmem>> -> memref<1x80x128xf32, #tpu.memory_space<vmem>>
          %dma_start3A_131 = tpu.memref_squeeze %dma_start3A_130 : memref<1x80x128xf32, #tpu.memory_space<vmem>> -> memref<80x128xf32, #tpu.memory_space<vmem>>
          %dma_start3A_132 = arith.constant 0 : i32
          %dma_start3A_133 = tpu.memref_slice %arg9[%add3A_79, %dma_start3A_132] : memref<25x80xi32, #tpu.memory_space<vmem>> -> memref<1x80xi32, #tpu.memory_space<vmem>>
          %dma_start3A_134 = tpu.memref_squeeze %dma_start3A_133 : memref<1x80xi32, #tpu.memory_space<vmem>> -> memref<80xi32, #tpu.memory_space<vmem>>
          %dma_start3A_135 = arith.constant 0 : i32
          %dma_start3A_136 = arith.constant 0 : i32
          %dma_start3A_137 = tpu.memref_slice %arg12[%dma_start3A_135, %dma_start3A_136] : memref<10112x128xf32, #tpu.memory_space<vmem_shared>> -> memref<10112x128xf32, #tpu.memory_space<vmem_shared>>
          tpu.enqueue_indirect_dma source(%dma_start3A_131 : memref<80x128xf32, #tpu.memory_space<vmem>>) target(%dma_start3A_137 : memref<10112x128xf32, #tpu.memory_space<vmem_shared>>) offsets(%dma_start3A_134 : memref<80xi32, #tpu.memory_space<vmem>>) semaphore(%run_scoped3A_127 : memref<!tpu.dma_semaphore, #tpu.memory_space<semaphore_mem>>) {add = true}
          %dma_wait3A_138 = arith.constant 0 : i32
          %dma_wait3A_139 = arith.constant 0 : i32
          %dma_wait3A_140 = tpu.memref_slice %arg10[%run_scoped3A_95, %dma_wait3A_138, %dma_wait3A_139] : memref<2x80x128xf32, #tpu.memory_space<vmem>> -> memref<1x80x128xf32, #tpu.memory_space<vmem>>
          %dma_wait3A_141 = tpu.memref_squeeze %dma_wait3A_140 : memref<1x80x128xf32, #tpu.memory_space<vmem>> -> memref<80x128xf32, #tpu.memory_space<vmem>>
          %dma_wait3A_142 = arith.constant 0 : i32
          %dma_wait3A_143 = tpu.memref_slice %arg9[%add3A_79, %dma_wait3A_142] : memref<25x80xi32, #tpu.memory_space<vmem>> -> memref<1x80xi32, #tpu.memory_space<vmem>>
          %dma_wait3A_144 = tpu.memref_squeeze %dma_wait3A_143 : memref<1x80xi32, #tpu.memory_space<vmem>> -> memref<80xi32, #tpu.memory_space<vmem>>
          %dma_wait3A_145 = arith.constant 0 : i32
          %dma_wait3A_146 = arith.constant 0 : i32
          %dma_wait3A_147 = tpu.memref_slice %arg12[%dma_wait3A_145, %dma_wait3A_146] : memref<10112x128xf32, #tpu.memory_space<vmem_shared>> -> memref<10112x128xf32, #tpu.memory_space<vmem_shared>>
          tpu.wait_indirect_dma semaphore(%run_scoped3A_127 : memref<!tpu.dma_semaphore, #tpu.memory_space<semaphore_mem>>) src(%dma_wait3A_141 : memref<80x128xf32, #tpu.memory_space<vmem>>) dst(%dma_wait3A_147 : memref<10112x128xf32, #tpu.memory_space<vmem_shared>>)
          tpu.yield
        }) : () -> ()
        %add3A_96 = arith.constant 2 : i32
        %add3A_97 = arith.addi %add3A_79, %add3A_96 : i32
        %lt3A = arith.constant 25 : i32
        %lt3A_98 = arith.cmpi slt, %add3A_97, %lt3A : i32
        %convert_element_type3A = arith.extui %lt3A_98 : i1 to i32
        %cond3A = arith.constant 0 : i32
        %cond3A_99 = arith.cmpi ne, %convert_element_type3A, %cond3A : i32
        scf.if %cond3A_99 {
          %dma_start3A_127 = arith.constant 0 : i32
          %dma_start3A_128 = arith.constant 0 : i32
          %dma_start3A_129 = arith.constant 0 : i32
          %dma_start3A_130 = tpu.memref_slice %arg10[%dma_start3A_127, %dma_start3A_128, %dma_start3A_129] : memref<2x80x128xf32, #tpu.memory_space<vmem>> -> memref<1x80x128xf32, #tpu.memory_space<vmem>>
          %dma_start3A_131 = tpu.memref_squeeze %dma_start3A_130 : memref<1x80x128xf32, #tpu.memory_space<vmem>> -> memref<80x128xf32, #tpu.memory_space<vmem>>
          %dma_start3A_132 = arith.constant 0 : i32
          %dma_start3A_133 = tpu.memref_slice %arg7[%add3A_97, %dma_start3A_132] : memref<25x80xi32, #tpu.memory_space<vmem>> -> memref<1x80xi32, #tpu.memory_space<vmem>>
          %dma_start3A_134 = tpu.memref_squeeze %dma_start3A_133 : memref<1x80xi32, #tpu.memory_space<vmem>> -> memref<80xi32, #tpu.memory_space<vmem>>
          %dma_start3A_135 = arith.constant 0 : i32
          %dma_start3A_136 = arith.constant 0 : i32
          %dma_start3A_137 = tpu.memref_slice %arg2[%dma_start3A_135, %dma_start3A_136] : memref<50000x128xf32, #tpu.memory_space<hbm>> -> memref<50000x128xf32, #tpu.memory_space<hbm>>
          tpu.enqueue_indirect_dma source(%dma_start3A_137 : memref<50000x128xf32, #tpu.memory_space<hbm>>) target(%dma_start3A_131 : memref<80x128xf32, #tpu.memory_space<vmem>>) offsets(%dma_start3A_134 : memref<80xi32, #tpu.memory_space<vmem>>) semaphore(%arg13 : memref<!tpu.dma_semaphore, #tpu.memory_space<semaphore_mem>>)
        } else {
        }
        %mul3A_100 = arith.constant 2 : i32
        %mul3A_101 = arith.muli %scan3A_75, %mul3A_100 : i32
        %add3A_102 = arith.constant 1 : i32
        %add3A_103 = arith.addi %mul3A_101, %add3A_102 : i32
        %dma_wait3A_104 = arith.constant 1 : i32
        %dma_wait3A_105 = arith.constant 0 : i32
        %dma_wait3A_106 = arith.constant 0 : i32
        %dma_wait3A_107 = tpu.memref_slice %arg10[%dma_wait3A_104, %dma_wait3A_105, %dma_wait3A_106] : memref<2x80x128xf32, #tpu.memory_space<vmem>> -> memref<1x80x128xf32, #tpu.memory_space<vmem>>
        %dma_wait3A_108 = tpu.memref_squeeze %dma_wait3A_107 : memref<1x80x128xf32, #tpu.memory_space<vmem>> -> memref<80x128xf32, #tpu.memory_space<vmem>>
        %dma_wait3A_109 = arith.constant 0 : i32
        %dma_wait3A_110 = arith.constant 0 : i32
        %dma_wait3A_111 = tpu.memref_slice %arg2[%dma_wait3A_109, %dma_wait3A_110] : memref<50000x128xf32, #tpu.memory_space<hbm>> -> memref<80x128xf32, #tpu.memory_space<hbm>>
        %dma_wait3A_112 = arith.constant 0 : i32
        %dma_wait3A_113 = arith.constant 0 : i32
        %dma_wait3A_114 = tpu.memref_slice %arg10[%dma_wait3A_104, %dma_wait3A_112, %dma_wait3A_113] : memref<2x80x128xf32, #tpu.memory_space<vmem>> -> memref<1x80x128xf32, #tpu.memory_space<vmem>>
        %dma_wait3A_115 = tpu.memref_squeeze %dma_wait3A_114 : memref<1x80x128xf32, #tpu.memory_space<vmem>> -> memref<80x128xf32, #tpu.memory_space<vmem>>
        %dma_wait3A_116 = arith.constant 0 : i32
        %dma_wait3A_117 = arith.constant 0 : i32
        %dma_wait3A_118 = tpu.memref_slice %arg2[%dma_wait3A_116, %dma_wait3A_117] : memref<50000x128xf32, #tpu.memory_space<hbm>> -> memref<80x128xf32, #tpu.memory_space<hbm>>
        tpu.wait_dma2 semaphore(%arg14 : memref<!tpu.dma_semaphore, #tpu.memory_space<semaphore_mem>>) src(%dma_wait3A_118 : memref<80x128xf32, #tpu.memory_space<hbm>>) dst(%dma_wait3A_115 : memref<80x128xf32, #tpu.memory_space<vmem>>)
        %run_scoped3A_119 = arith.constant 1 : i32
        "tpu.region"() ({
          %run_scoped3A_127 = tpu.sem_alloc : memref<!tpu.dma_semaphore, #tpu.memory_space<semaphore_mem>>
          %dma_start3A_128 = arith.constant 0 : i32
          %dma_start3A_129 = arith.constant 0 : i32
          %dma_start3A_130 = tpu.memref_slice %arg10[%run_scoped3A_119, %dma_start3A_128, %dma_start3A_129] : memref<2x80x128xf32, #tpu.memory_space<vmem>> -> memref<1x80x128xf32, #tpu.memory_space<vmem>>
          %dma_start3A_131 = tpu.memref_squeeze %dma_start3A_130 : memref<1x80x128xf32, #tpu.memory_space<vmem>> -> memref<80x128xf32, #tpu.memory_space<vmem>>
          %dma_start3A_132 = arith.constant 0 : i32
          %dma_start3A_133 = tpu.memref_slice %arg9[%add3A_103, %dma_start3A_132] : memref<25x80xi32, #tpu.memory_space<vmem>> -> memref<1x80xi32, #tpu.memory_space<vmem>>
          %dma_start3A_134 = tpu.memref_squeeze %dma_start3A_133 : memref<1x80xi32, #tpu.memory_space<vmem>> -> memref<80xi32, #tpu.memory_space<vmem>>
          %dma_start3A_135 = arith.constant 0 : i32
          %dma_start3A_136 = arith.constant 0 : i32
          %dma_start3A_137 = tpu.memref_slice %arg12[%dma_start3A_135, %dma_start3A_136] : memref<10112x128xf32, #tpu.memory_space<vmem_shared>> -> memref<10112x128xf32, #tpu.memory_space<vmem_shared>>
          tpu.enqueue_indirect_dma source(%dma_start3A_131 : memref<80x128xf32, #tpu.memory_space<vmem>>) target(%dma_start3A_137 : memref<10112x128xf32, #tpu.memory_space<vmem_shared>>) offsets(%dma_start3A_134 : memref<80xi32, #tpu.memory_space<vmem>>) semaphore(%run_scoped3A_127 : memref<!tpu.dma_semaphore, #tpu.memory_space<semaphore_mem>>) {add = true}
          %dma_wait3A_138 = arith.constant 0 : i32
          %dma_wait3A_139 = arith.constant 0 : i32
          %dma_wait3A_140 = tpu.memref_slice %arg10[%run_scoped3A_119, %dma_wait3A_138, %dma_wait3A_139] : memref<2x80x128xf32, #tpu.memory_space<vmem>> -> memref<1x80x128xf32, #tpu.memory_space<vmem>>
          %dma_wait3A_141 = tpu.memref_squeeze %dma_wait3A_140 : memref<1x80x128xf32, #tpu.memory_space<vmem>> -> memref<80x128xf32, #tpu.memory_space<vmem>>
          %dma_wait3A_142 = arith.constant 0 : i32
          %dma_wait3A_143 = tpu.memref_slice %arg9[%add3A_103, %dma_wait3A_142] : memref<25x80xi32, #tpu.memory_space<vmem>> -> memref<1x80xi32, #tpu.memory_space<vmem>>
          %dma_wait3A_144 = tpu.memref_squeeze %dma_wait3A_143 : memref<1x80xi32, #tpu.memory_space<vmem>> -> memref<80xi32, #tpu.memory_space<vmem>>
          %dma_wait3A_145 = arith.constant 0 : i32
          %dma_wait3A_146 = arith.constant 0 : i32
          %dma_wait3A_147 = tpu.memref_slice %arg12[%dma_wait3A_145, %dma_wait3A_146] : memref<10112x128xf32, #tpu.memory_space<vmem_shared>> -> memref<10112x128xf32, #tpu.memory_space<vmem_shared>>
          tpu.wait_indirect_dma semaphore(%run_scoped3A_127 : memref<!tpu.dma_semaphore, #tpu.memory_space<semaphore_mem>>) src(%dma_wait3A_141 : memref<80x128xf32, #tpu.memory_space<vmem>>) dst(%dma_wait3A_147 : memref<10112x128xf32, #tpu.memory_space<vmem_shared>>)
          tpu.yield
        }) : () -> ()
        %add3A_120 = arith.constant 2 : i32
        %add3A_121 = arith.addi %add3A_103, %add3A_120 : i32
        %lt3A_122 = arith.constant 25 : i32
        %lt3A_123 = arith.cmpi slt, %add3A_121, %lt3A_122 : i32
        %convert_element_type3A_124 = arith.extui %lt3A_123 : i1 to i32
        %cond3A_125 = arith.constant 0 : i32
        %cond3A_126 = arith.cmpi ne, %convert_element_type3A_124, %cond3A_125 : i32
        scf.if %cond3A_126 {
          %dma_start3A_127 = arith.constant 1 : i32
          %dma_start3A_128 = arith.constant 0 : i32
          %dma_start3A_129 = arith.constant 0 : i32
          %dma_start3A_130 = tpu.memref_slice %arg10[%dma_start3A_127, %dma_start3A_128, %dma_start3A_129] : memref<2x80x128xf32, #tpu.memory_space<vmem>> -> memref<1x80x128xf32, #tpu.memory_space<vmem>>
          %dma_start3A_131 = tpu.memref_squeeze %dma_start3A_130 : memref<1x80x128xf32, #tpu.memory_space<vmem>> -> memref<80x128xf32, #tpu.memory_space<vmem>>
          %dma_start3A_132 = arith.constant 0 : i32
          %dma_start3A_133 = tpu.memref_slice %arg7[%add3A_121, %dma_start3A_132] : memref<25x80xi32, #tpu.memory_space<vmem>> -> memref<1x80xi32, #tpu.memory_space<vmem>>
          %dma_start3A_134 = tpu.memref_squeeze %dma_start3A_133 : memref<1x80xi32, #tpu.memory_space<vmem>> -> memref<80xi32, #tpu.memory_space<vmem>>
          %dma_start3A_135 = arith.constant 0 : i32
          %dma_start3A_136 = arith.constant 0 : i32
          %dma_start3A_137 = tpu.memref_slice %arg2[%dma_start3A_135, %dma_start3A_136] : memref<50000x128xf32, #tpu.memory_space<hbm>> -> memref<50000x128xf32, #tpu.memory_space<hbm>>
          tpu.enqueue_indirect_dma source(%dma_start3A_137 : memref<50000x128xf32, #tpu.memory_space<hbm>>) target(%dma_start3A_131 : memref<80x128xf32, #tpu.memory_space<vmem>>) offsets(%dma_start3A_134 : memref<80xi32, #tpu.memory_space<vmem>>) semaphore(%arg14 : memref<!tpu.dma_semaphore, #tpu.memory_space<semaphore_mem>>)
        } else {
        }
      }
      %scan3A_59 = arith.constant 12 : i32
      %dma_wait3A = arith.constant 0 : i32
      %dma_wait3A_60 = arith.constant 0 : i32
      %dma_wait3A_61 = arith.constant 0 : i32
      %dma_wait3A_62 = tpu.memref_slice %arg10[%dma_wait3A, %dma_wait3A_60, %dma_wait3A_61] : memref<2x80x128xf32, #tpu.memory_space<vmem>> -> memref<1x80x128xf32, #tpu.memory_space<vmem>>
      %dma_wait3A_63 = tpu.memref_squeeze %dma_wait3A_62 : memref<1x80x128xf32, #tpu.memory_space<vmem>> -> memref<80x128xf32, #tpu.memory_space<vmem>>
      %dma_wait3A_64 = arith.constant 0 : i32
      %dma_wait3A_65 = arith.constant 0 : i32
      %dma_wait3A_66 = tpu.memref_slice %arg2[%dma_wait3A_64, %dma_wait3A_65] : memref<50000x128xf32, #tpu.memory_space<hbm>> -> memref<80x128xf32, #tpu.memory_space<hbm>>
      %dma_wait3A_67 = arith.constant 0 : i32
      %dma_wait3A_68 = arith.constant 0 : i32
      %dma_wait3A_69 = tpu.memref_slice %arg10[%dma_wait3A, %dma_wait3A_67, %dma_wait3A_68] : memref<2x80x128xf32, #tpu.memory_space<vmem>> -> memref<1x80x128xf32, #tpu.memory_space<vmem>>
      %dma_wait3A_70 = tpu.memref_squeeze %dma_wait3A_69 : memref<1x80x128xf32, #tpu.memory_space<vmem>> -> memref<80x128xf32, #tpu.memory_space<vmem>>
      %dma_wait3A_71 = arith.constant 0 : i32
      %dma_wait3A_72 = arith.constant 0 : i32
      %dma_wait3A_73 = tpu.memref_slice %arg2[%dma_wait3A_71, %dma_wait3A_72] : memref<50000x128xf32, #tpu.memory_space<hbm>> -> memref<80x128xf32, #tpu.memory_space<hbm>>
      tpu.wait_dma2 semaphore(%arg13 : memref<!tpu.dma_semaphore, #tpu.memory_space<semaphore_mem>>) src(%dma_wait3A_73 : memref<80x128xf32, #tpu.memory_space<hbm>>) dst(%dma_wait3A_70 : memref<80x128xf32, #tpu.memory_space<vmem>>)
      %run_scoped3A = arith.constant 0 : i32
      %run_scoped3A_74 = arith.constant 24 : i32
      "tpu.region"() ({
        %run_scoped3A_75 = tpu.sem_alloc : memref<!tpu.dma_semaphore, #tpu.memory_space<semaphore_mem>>
        %dma_start3A_76 = arith.constant 0 : i32
        %dma_start3A_77 = arith.constant 0 : i32
        %dma_start3A_78 = tpu.memref_slice %arg10[%run_scoped3A, %dma_start3A_76, %dma_start3A_77] : memref<2x80x128xf32, #tpu.memory_space<vmem>> -> memref<1x80x128xf32, #tpu.memory_space<vmem>>
        %dma_start3A_79 = tpu.memref_squeeze %dma_start3A_78 : memref<1x80x128xf32, #tpu.memory_space<vmem>> -> memref<80x128xf32, #tpu.memory_space<vmem>>
        %dma_start3A_80 = arith.constant 0 : i32
        %dma_start3A_81 = tpu.memref_slice %arg9[%run_scoped3A_74, %dma_start3A_80] : memref<25x80xi32, #tpu.memory_space<vmem>> -> memref<1x80xi32, #tpu.memory_space<vmem>>
        %dma_start3A_82 = tpu.memref_squeeze %dma_start3A_81 : memref<1x80xi32, #tpu.memory_space<vmem>> -> memref<80xi32, #tpu.memory_space<vmem>>
        %dma_start3A_83 = arith.constant 0 : i32
        %dma_start3A_84 = arith.constant 0 : i32
        %dma_start3A_85 = tpu.memref_slice %arg12[%dma_start3A_83, %dma_start3A_84] : memref<10112x128xf32, #tpu.memory_space<vmem_shared>> -> memref<10112x128xf32, #tpu.memory_space<vmem_shared>>
        tpu.enqueue_indirect_dma source(%dma_start3A_79 : memref<80x128xf32, #tpu.memory_space<vmem>>) target(%dma_start3A_85 : memref<10112x128xf32, #tpu.memory_space<vmem_shared>>) offsets(%dma_start3A_82 : memref<80xi32, #tpu.memory_space<vmem>>) semaphore(%run_scoped3A_75 : memref<!tpu.dma_semaphore, #tpu.memory_space<semaphore_mem>>) {add = true}
        %dma_wait3A_86 = arith.constant 0 : i32
        %dma_wait3A_87 = arith.constant 0 : i32
        %dma_wait3A_88 = tpu.memref_slice %arg10[%run_scoped3A, %dma_wait3A_86, %dma_wait3A_87] : memref<2x80x128xf32, #tpu.memory_space<vmem>> -> memref<1x80x128xf32, #tpu.memory_space<vmem>>
        %dma_wait3A_89 = tpu.memref_squeeze %dma_wait3A_88 : memref<1x80x128xf32, #tpu.memory_space<vmem>> -> memref<80x128xf32, #tpu.memory_space<vmem>>
        %dma_wait3A_90 = arith.constant 0 : i32
        %dma_wait3A_91 = tpu.memref_slice %arg9[%run_scoped3A_74, %dma_wait3A_90] : memref<25x80xi32, #tpu.memory_space<vmem>> -> memref<1x80xi32, #tpu.memory_space<vmem>>
        %dma_wait3A_92 = tpu.memref_squeeze %dma_wait3A_91 : memref<1x80xi32, #tpu.memory_space<vmem>> -> memref<80xi32, #tpu.memory_space<vmem>>
        %dma_wait3A_93 = arith.constant 0 : i32
        %dma_wait3A_94 = arith.constant 0 : i32
        %dma_wait3A_95 = tpu.memref_slice %arg12[%dma_wait3A_93, %dma_wait3A_94] : memref<10112x128xf32, #tpu.memory_space<vmem_shared>> -> memref<10112x128xf32, #tpu.memory_space<vmem_shared>>
        tpu.wait_indirect_dma semaphore(%run_scoped3A_75 : memref<!tpu.dma_semaphore, #tpu.memory_space<semaphore_mem>>) src(%dma_wait3A_89 : memref<80x128xf32, #tpu.memory_space<vmem>>) dst(%dma_wait3A_95 : memref<10112x128xf32, #tpu.memory_space<vmem_shared>>)
        tpu.yield
      }) : () -> ()
    }
    %scan3A_18 = arith.constant 5 : i32
    %barrier3A_19 = arith.constant 0 : index
    tpu.barrier barrier_id(%barrier3A_19)
    %mul3A_20 = arith.constant 632 : i32
    %mul3A_21 = arith.muli %arg1, %mul3A_20 : i32
    %mul3A_22 = arith.constant 632 : i32
    %mul3A_23 = arith.muli %arg1, %mul3A_22 : i32
    "tpu.region"() ({
      %run_scoped3A = tpu.sem_alloc : memref<!tpu.dma_semaphore, #tpu.memory_space<semaphore_mem>>
      %dma_start3A = arith.constant 0 : i32
      %dma_start3A_24 = tpu.memref_slice %arg6[%arg0, %mul3A_23, %dma_start3A] : memref<2x10112x128xf32, #tpu.memory_space<hbm>> -> memref<1x632x128xf32, #tpu.memory_space<hbm>>
      %dma_start3A_25 = tpu.memref_squeeze %dma_start3A_24 : memref<1x632x128xf32, #tpu.memory_space<hbm>> -> memref<632x128xf32, #tpu.memory_space<hbm>>
      %dma_start3A_26 = arith.constant 0 : i32
      %dma_start3A_27 = tpu.memref_slice %arg12[%mul3A_21, %dma_start3A_26] : memref<10112x128xf32, #tpu.memory_space<vmem_shared>> -> memref<632x128xf32, #tpu.memory_space<vmem_shared>>
      tpu.enqueue_dma source(%dma_start3A_27 : memref<632x128xf32, #tpu.memory_space<vmem_shared>>) target(%dma_start3A_25 : memref<632x128xf32, #tpu.memory_space<hbm>>) target_semaphore(%run_scoped3A : memref<!tpu.dma_semaphore, #tpu.memory_space<semaphore_mem>>)
      %dma_wait3A = arith.constant 0 : i32
      %dma_wait3A_28 = tpu.memref_slice %arg6[%arg0, %mul3A_23, %dma_wait3A] : memref<2x10112x128xf32, #tpu.memory_space<hbm>> -> memref<1x632x128xf32, #tpu.memory_space<hbm>>
      %dma_wait3A_29 = tpu.memref_squeeze %dma_wait3A_28 : memref<1x632x128xf32, #tpu.memory_space<hbm>> -> memref<632x128xf32, #tpu.memory_space<hbm>>
      %dma_wait3A_30 = arith.constant 0 : i32
      %dma_wait3A_31 = tpu.memref_slice %arg12[%mul3A_21, %dma_wait3A_30] : memref<10112x128xf32, #tpu.memory_space<vmem_shared>> -> memref<632x128xf32, #tpu.memory_space<vmem_shared>>
      tpu.wait_dma2 semaphore(%run_scoped3A : memref<!tpu.dma_semaphore, #tpu.memory_space<semaphore_mem>>) src(%dma_wait3A_31 : memref<632x128xf32, #tpu.memory_space<vmem_shared>>) dst(%dma_wait3A_29 : memref<632x128xf32, #tpu.memory_space<hbm>>)
      tpu.yield
    }) : () -> ()
    return
  }
}

#map = affine_map<(d0, d1) -> (0, 0)>
#map1 = affine_map<(d0, d1) -> (0, 0, 0, 0)>
#map2 = affine_map<(d0, d1) -> (0, 0, 0)>
module attributes {stable_mosaic.version = 14 : i64} {
  func.func @_edge_aggregate_body(%arg0: i32, %arg1: i32, %arg2: memref<50000x128xf32, #tpu.memory_space<hbm>>, %arg3: memref<32x5x25x80xi32, #tpu.memory_space<hbm>>, %arg4: memref<32x5x25x80xi32, #tpu.memory_space<hbm>>, %arg5: memref<32x5x25x80xi32, #tpu.memory_space<hbm>>, %arg6: memref<2x10112x128xf32, #tpu.memory_space<hbm>>, %arg7: memref<25x80xi32, #tpu.memory_space<vmem>>, %arg8: memref<25x80xi32, #tpu.memory_space<vmem>>, %arg9: memref<25x80xi32, #tpu.memory_space<vmem>>, %arg10: memref<2x80x128xf32, #tpu.memory_space<vmem>>, %arg11: memref<8x128xf32, #tpu.memory_space<vmem>>, %arg12: memref<10112x128xf32, #tpu.memory_space<vmem_shared>>, %arg13: memref<!tpu.dma_semaphore, #tpu.memory_space<semaphore_mem>>, %arg14: memref<!tpu.dma_semaphore, #tpu.memory_space<semaphore_mem>>) attributes {dimension_semantics = [#tpu.dimension_semantics<core_parallel>, #tpu.dimension_semantics<subcore_parallel>], iteration_bounds = array<i64: 2, 16>, scalar_prefetch = 0 : i64, scratch_operands = 8 : i64, tpu.core_type = #tpu.core_type<sc_vector_subcore>, window_params = [{transform_indices = #map}, {transform_indices = #map1}, {transform_indices = #map1}, {transform_indices = #map1}, {transform_indices = #map2}]} {
    %mul3A = arith.constant 2 : i32
    %mul3A_0 = arith.muli %arg1, %mul3A : i32
    %add3A = arith.addi %mul3A_0, %arg0 : i32
    %broadcast_in_dim3A = arith.constant 0.000000e+00 : f32
    %broadcast_in_dim3A_1 = vector.broadcast %broadcast_in_dim3A : f32 to vector<16xf32>
    %scan3A = arith.constant 0 : i32
    %scan3A_2 = arith.constant 0 : i32
    %scan3A_3 = arith.constant 64 : i32
    %scan3A_4 = arith.addi %scan3A_2, %scan3A_3 : i32
    %scan3A_5 = arith.constant 1 : i32
    scf.for %scan3A_24 = %scan3A_2 to %scan3A_4 step %scan3A_5  : i32 {
      %jit3A = arith.constant 8 : i32
      %div3A = arith.divsi %scan3A_24, %jit3A : i32
      %sign3A = arith.constant 0 : i32
      %sign3A_25 = arith.cmpi sgt, %scan3A_24, %sign3A : i32
      %sign3A_26 = arith.extui %sign3A_25 : i1 to i32
      %sign3A_27 = arith.constant 0 : i32
      %sign3A_28 = arith.cmpi slt, %scan3A_24, %sign3A_27 : i32
      %sign3A_29 = arith.extui %sign3A_28 : i1 to i32
      %sign3A_30 = arith.subi %sign3A_26, %sign3A_29 : i32
      %sign3A_31 = arith.constant 0 : i32
      %sign3A_32 = arith.cmpi sgt, %jit3A, %sign3A_31 : i32
      %sign3A_33 = arith.extui %sign3A_32 : i1 to i32
      %sign3A_34 = arith.constant 0 : i32
      %sign3A_35 = arith.cmpi slt, %jit3A, %sign3A_34 : i32
      %sign3A_36 = arith.extui %sign3A_35 : i1 to i32
      %sign3A_37 = arith.subi %sign3A_33, %sign3A_36 : i32
      %ne3A = arith.cmpi ne, %sign3A_30, %sign3A_37 : i32
      %rem3A = arith.remsi %scan3A_24, %jit3A : i32
      %ne3A_38 = arith.constant 0 : i32
      %ne3A_39 = arith.cmpi ne, %rem3A, %ne3A_38 : i32
      %and3A = arith.andi %ne3A, %ne3A_39 : i1
      %sub3A = arith.constant 1 : i32
      %sub3A_40 = arith.subi %div3A, %sub3A : i32
      %select_n3A = arith.select %and3A, %sub3A_40, %div3A : i32
      %jit3A_41 = arith.constant 8 : i32
      %eq3A = arith.constant 0 : i32
      %eq3A_42 = arith.cmpi eq, %jit3A_41, %eq3A : i32
      %jit3A_43 = arith.constant 1 : i32
      %select_n3A_44 = arith.select %eq3A_42, %jit3A_43, %jit3A_41 : i32
      %rem3A_45 = arith.remsi %scan3A_24, %select_n3A_44 : i32
      %ne3A_46 = arith.constant 0 : i32
      %ne3A_47 = arith.cmpi ne, %rem3A_45, %ne3A_46 : i32
      %lt3A = arith.constant 0 : i32
      %lt3A_48 = arith.cmpi slt, %rem3A_45, %lt3A : i32
      %lt3A_49 = arith.constant 0 : i32
      %lt3A_50 = arith.cmpi slt, %select_n3A_44, %lt3A_49 : i32
      %ne3A_51 = arith.xori %lt3A_48, %lt3A_50 : i1
      %and3A_52 = arith.andi %ne3A_51, %ne3A_47 : i1
      %add3A_53 = arith.addi %rem3A_45, %select_n3A_44 : i32
      %select_n3A_54 = arith.select %and3A_52, %add3A_53, %rem3A_45 : i32
      %mul3A_55 = arith.constant 16 : i32
      %mul3A_56 = arith.muli %select_n3A_54, %mul3A_55 : i32
      %swap3A = arith.index_cast %select_n3A : i32 to index
      %swap3A_57 = arith.index_cast %mul3A_56 : i32 to index
      %swap3A_58 = tpu.vector_load %arg11[%swap3A, %swap3A_57] {strides = array<i32>} : memref<8x128xf32, #tpu.memory_space<vmem>>, vector<1x16xf32>,
      %swap3A_59 = vector.shape_cast %swap3A_58 : vector<1x16xf32> to vector<16xf32>
      %swap3A_60 = vector.shape_cast %broadcast_in_dim3A_1 : vector<16xf32> to vector<1x16xf32>
      tpu.vector_store %arg11[%swap3A, %swap3A_57], %swap3A_60 {strides = array<i32>} : memref<8x128xf32, #tpu.memory_space<vmem>>, vector<1x16xf32>,
    }
    %scan3A_6 = arith.constant 64 : i32
    %scan3A_7 = arith.constant 0 : i32
    %scan3A_8 = arith.constant 0 : i32
    %scan3A_9 = arith.constant 79 : i32
    %scan3A_10 = arith.addi %scan3A_8, %scan3A_9 : i32
    %scan3A_11 = arith.constant 1 : i32
    scf.for %scan3A_24 = %scan3A_8 to %scan3A_10 step %scan3A_11  : i32 {
      %mul3A_25 = arith.constant 632 : i32
      %mul3A_26 = arith.muli %arg1, %mul3A_25 : i32
      %mul3A_27 = arith.constant 8 : i32
      %mul3A_28 = arith.muli %scan3A_24, %mul3A_27 : i32
      %add3A_29 = arith.addi %mul3A_26, %mul3A_28 : i32
      "tpu.region"() ({
        %run_scoped3A = tpu.sem_alloc : memref<!tpu.dma_semaphore, #tpu.memory_space<semaphore_mem>>
        %dma_start3A = arith.constant 0 : i32
        %dma_start3A_30 = tpu.memref_slice %arg12[%add3A_29, %dma_start3A] : memref<10112x128xf32, #tpu.memory_space<vmem_shared>> -> memref<8x128xf32, #tpu.memory_space<vmem_shared>>
        %dma_start3A_31 = arith.constant 0 : i32
        %dma_start3A_32 = tpu.memref_slice %arg12[%add3A_29, %dma_start3A_31] : memref<10112x128xf32, #tpu.memory_space<vmem_shared>> -> memref<8x128xf32, #tpu.memory_space<vmem_shared>>
        tpu.enqueue_dma source(%arg11 : memref<8x128xf32, #tpu.memory_space<vmem>>) target(%dma_start3A_32 : memref<8x128xf32, #tpu.memory_space<vmem_shared>>) target_semaphore(%run_scoped3A : memref<!tpu.dma_semaphore, #tpu.memory_space<semaphore_mem>>)
        %dma_wait3A = arith.constant 0 : i32
        %dma_wait3A_33 = tpu.memref_slice %arg12[%add3A_29, %dma_wait3A] : memref<10112x128xf32, #tpu.memory_space<vmem_shared>> -> memref<8x128xf32, #tpu.memory_space<vmem_shared>>
        %dma_wait3A_34 = arith.constant 0 : i32
        %dma_wait3A_35 = tpu.memref_slice %arg12[%add3A_29, %dma_wait3A_34] : memref<10112x128xf32, #tpu.memory_space<vmem_shared>> -> memref<8x128xf32, #tpu.memory_space<vmem_shared>>
        tpu.wait_dma2 semaphore(%run_scoped3A : memref<!tpu.dma_semaphore, #tpu.memory_space<semaphore_mem>>) src(%arg11 : memref<8x128xf32, #tpu.memory_space<vmem>>) dst(%dma_wait3A_35 : memref<8x128xf32, #tpu.memory_space<vmem_shared>>)
        tpu.yield
      }) : () -> ()
    }
    %scan3A_12 = arith.constant 79 : i32
    %barrier3A = arith.constant 0 : index
    tpu.barrier barrier_id(%barrier3A)
    %scan3A_13 = arith.constant 0 : i32
    %scan3A_14 = arith.constant 0 : i32
    %scan3A_15 = arith.constant 5 : i32
    %scan3A_16 = arith.addi %scan3A_14, %scan3A_15 : i32
    %scan3A_17 = arith.constant 1 : i32
    scf.for %scan3A_24 = %scan3A_14 to %scan3A_16 step %scan3A_17  : i32 {
      "tpu.region"() ({
        %run_scoped3A_75 = tpu.sem_alloc : memref<!tpu.dma_semaphore, #tpu.memory_space<semaphore_mem>>
        %dma_start3A_76 = arith.constant 0 : i32
        %dma_start3A_77 = arith.constant 0 : i32
        %dma_start3A_78 = tpu.memref_slice %arg3[%add3A, %scan3A_24, %dma_start3A_76, %dma_start3A_77] : memref<32x5x25x80xi32, #tpu.memory_space<hbm>> -> memref<1x1x25x80xi32, #tpu.memory_space<hbm>>
        %dma_start3A_79 = tpu.memref_squeeze %dma_start3A_78 : memref<1x1x25x80xi32, #tpu.memory_space<hbm>> -> memref<25x80xi32, #tpu.memory_space<hbm>>
        %dma_start3A_80 = arith.constant 0 : i32
        %dma_start3A_81 = arith.constant 0 : i32
        %dma_start3A_82 = tpu.memref_slice %arg3[%add3A, %scan3A_24, %dma_start3A_80, %dma_start3A_81] : memref<32x5x25x80xi32, #tpu.memory_space<hbm>> -> memref<1x1x25x80xi32, #tpu.memory_space<hbm>>
        %dma_start3A_83 = tpu.memref_squeeze %dma_start3A_82 : memref<1x1x25x80xi32, #tpu.memory_space<hbm>> -> memref<25x80xi32, #tpu.memory_space<hbm>>
        tpu.enqueue_dma source(%dma_start3A_83 : memref<25x80xi32, #tpu.memory_space<hbm>>) target(%arg7 : memref<25x80xi32, #tpu.memory_space<vmem>>) target_semaphore(%run_scoped3A_75 : memref<!tpu.dma_semaphore, #tpu.memory_space<semaphore_mem>>)
        %dma_wait3A_84 = arith.constant 0 : i32
        %dma_wait3A_85 = arith.constant 0 : i32
        %dma_wait3A_86 = tpu.memref_slice %arg3[%add3A, %scan3A_24, %dma_wait3A_84, %dma_wait3A_85] : memref<32x5x25x80xi32, #tpu.memory_space<hbm>> -> memref<1x1x25x80xi32, #tpu.memory_space<hbm>>
        %dma_wait3A_87 = tpu.memref_squeeze %dma_wait3A_86 : memref<1x1x25x80xi32, #tpu.memory_space<hbm>> -> memref<25x80xi32, #tpu.memory_space<hbm>>
        %dma_wait3A_88 = arith.constant 0 : i32
        %dma_wait3A_89 = arith.constant 0 : i32
        %dma_wait3A_90 = tpu.memref_slice %arg3[%add3A, %scan3A_24, %dma_wait3A_88, %dma_wait3A_89] : memref<32x5x25x80xi32, #tpu.memory_space<hbm>> -> memref<1x1x25x80xi32, #tpu.memory_space<hbm>>
        %dma_wait3A_91 = tpu.memref_squeeze %dma_wait3A_90 : memref<1x1x25x80xi32, #tpu.memory_space<hbm>> -> memref<25x80xi32, #tpu.memory_space<hbm>>
        tpu.wait_dma2 semaphore(%run_scoped3A_75 : memref<!tpu.dma_semaphore, #tpu.memory_space<semaphore_mem>>) src(%dma_wait3A_91 : memref<25x80xi32, #tpu.memory_space<hbm>>) dst(%arg7 : memref<25x80xi32, #tpu.memory_space<vmem>>)
        tpu.yield
      }) : () -> ()
      "tpu.region"() ({
        %run_scoped3A_75 = tpu.sem_alloc : memref<!tpu.dma_semaphore, #tpu.memory_space<semaphore_mem>>
        %dma_start3A_76 = arith.constant 0 : i32
        %dma_start3A_77 = arith.constant 0 : i32
        %dma_start3A_78 = tpu.memref_slice %arg4[%add3A, %scan3A_24, %dma_start3A_76, %dma_start3A_77] : memref<32x5x25x80xi32, #tpu.memory_space<hbm>> -> memref<1x1x25x80xi32, #tpu.memory_space<hbm>>
        %dma_start3A_79 = tpu.memref_squeeze %dma_start3A_78 : memref<1x1x25x80xi32, #tpu.memory_space<hbm>> -> memref<25x80xi32, #tpu.memory_space<hbm>>
        %dma_start3A_80 = arith.constant 0 : i32
        %dma_start3A_81 = arith.constant 0 : i32
        %dma_start3A_82 = tpu.memref_slice %arg4[%add3A, %scan3A_24, %dma_start3A_80, %dma_start3A_81] : memref<32x5x25x80xi32, #tpu.memory_space<hbm>> -> memref<1x1x25x80xi32, #tpu.memory_space<hbm>>
        %dma_start3A_83 = tpu.memref_squeeze %dma_start3A_82 : memref<1x1x25x80xi32, #tpu.memory_space<hbm>> -> memref<25x80xi32, #tpu.memory_space<hbm>>
        tpu.enqueue_dma source(%dma_start3A_83 : memref<25x80xi32, #tpu.memory_space<hbm>>) target(%arg8 : memref<25x80xi32, #tpu.memory_space<vmem>>) target_semaphore(%run_scoped3A_75 : memref<!tpu.dma_semaphore, #tpu.memory_space<semaphore_mem>>)
        %dma_wait3A_84 = arith.constant 0 : i32
        %dma_wait3A_85 = arith.constant 0 : i32
        %dma_wait3A_86 = tpu.memref_slice %arg4[%add3A, %scan3A_24, %dma_wait3A_84, %dma_wait3A_85] : memref<32x5x25x80xi32, #tpu.memory_space<hbm>> -> memref<1x1x25x80xi32, #tpu.memory_space<hbm>>
        %dma_wait3A_87 = tpu.memref_squeeze %dma_wait3A_86 : memref<1x1x25x80xi32, #tpu.memory_space<hbm>> -> memref<25x80xi32, #tpu.memory_space<hbm>>
        %dma_wait3A_88 = arith.constant 0 : i32
        %dma_wait3A_89 = arith.constant 0 : i32
        %dma_wait3A_90 = tpu.memref_slice %arg4[%add3A, %scan3A_24, %dma_wait3A_88, %dma_wait3A_89] : memref<32x5x25x80xi32, #tpu.memory_space<hbm>> -> memref<1x1x25x80xi32, #tpu.memory_space<hbm>>
        %dma_wait3A_91 = tpu.memref_squeeze %dma_wait3A_90 : memref<1x1x25x80xi32, #tpu.memory_space<hbm>> -> memref<25x80xi32, #tpu.memory_space<hbm>>
        tpu.wait_dma2 semaphore(%run_scoped3A_75 : memref<!tpu.dma_semaphore, #tpu.memory_space<semaphore_mem>>) src(%dma_wait3A_91 : memref<25x80xi32, #tpu.memory_space<hbm>>) dst(%arg8 : memref<25x80xi32, #tpu.memory_space<vmem>>)
        tpu.yield
      }) : () -> ()
      "tpu.region"() ({
        %run_scoped3A_75 = tpu.sem_alloc : memref<!tpu.dma_semaphore, #tpu.memory_space<semaphore_mem>>
        %dma_start3A_76 = arith.constant 0 : i32
        %dma_start3A_77 = arith.constant 0 : i32
        %dma_start3A_78 = tpu.memref_slice %arg5[%add3A, %scan3A_24, %dma_start3A_76, %dma_start3A_77] : memref<32x5x25x80xi32, #tpu.memory_space<hbm>> -> memref<1x1x25x80xi32, #tpu.memory_space<hbm>>
        %dma_start3A_79 = tpu.memref_squeeze %dma_start3A_78 : memref<1x1x25x80xi32, #tpu.memory_space<hbm>> -> memref<25x80xi32, #tpu.memory_space<hbm>>
        %dma_start3A_80 = arith.constant 0 : i32
        %dma_start3A_81 = arith.constant 0 : i32
        %dma_start3A_82 = tpu.memref_slice %arg5[%add3A, %scan3A_24, %dma_start3A_80, %dma_start3A_81] : memref<32x5x25x80xi32, #tpu.memory_space<hbm>> -> memref<1x1x25x80xi32, #tpu.memory_space<hbm>>
        %dma_start3A_83 = tpu.memref_squeeze %dma_start3A_82 : memref<1x1x25x80xi32, #tpu.memory_space<hbm>> -> memref<25x80xi32, #tpu.memory_space<hbm>>
        tpu.enqueue_dma source(%dma_start3A_83 : memref<25x80xi32, #tpu.memory_space<hbm>>) target(%arg9 : memref<25x80xi32, #tpu.memory_space<vmem>>) target_semaphore(%run_scoped3A_75 : memref<!tpu.dma_semaphore, #tpu.memory_space<semaphore_mem>>)
        %dma_wait3A_84 = arith.constant 0 : i32
        %dma_wait3A_85 = arith.constant 0 : i32
        %dma_wait3A_86 = tpu.memref_slice %arg5[%add3A, %scan3A_24, %dma_wait3A_84, %dma_wait3A_85] : memref<32x5x25x80xi32, #tpu.memory_space<hbm>> -> memref<1x1x25x80xi32, #tpu.memory_space<hbm>>
        %dma_wait3A_87 = tpu.memref_squeeze %dma_wait3A_86 : memref<1x1x25x80xi32, #tpu.memory_space<hbm>> -> memref<25x80xi32, #tpu.memory_space<hbm>>
        %dma_wait3A_88 = arith.constant 0 : i32
        %dma_wait3A_89 = arith.constant 0 : i32
        %dma_wait3A_90 = tpu.memref_slice %arg5[%add3A, %scan3A_24, %dma_wait3A_88, %dma_wait3A_89] : memref<32x5x25x80xi32, #tpu.memory_space<hbm>> -> memref<1x1x25x80xi32, #tpu.memory_space<hbm>>
        %dma_wait3A_91 = tpu.memref_squeeze %dma_wait3A_90 : memref<1x1x25x80xi32, #tpu.memory_space<hbm>> -> memref<25x80xi32, #tpu.memory_space<hbm>>
        tpu.wait_dma2 semaphore(%run_scoped3A_75 : memref<!tpu.dma_semaphore, #tpu.memory_space<semaphore_mem>>) src(%dma_wait3A_91 : memref<25x80xi32, #tpu.memory_space<hbm>>) dst(%arg9 : memref<25x80xi32, #tpu.memory_space<vmem>>)
        tpu.yield
      }) : () -> ()
      %scan3A_25 = arith.constant 0 : i32
      %scan3A_26 = arith.constant 0 : i32
      %scan3A_27 = arith.constant 125 : i32
      %scan3A_28 = arith.addi %scan3A_26, %scan3A_27 : i32
      %scan3A_29 = arith.constant 1 : i32
      scf.for %scan3A_75 = %scan3A_26 to %scan3A_28 step %scan3A_29  : i32 {
        %jit3A = arith.constant 5 : i32
        %div3A = arith.divsi %scan3A_75, %jit3A : i32
        %sign3A = arith.constant 0 : i32
        %sign3A_76 = arith.cmpi sgt, %scan3A_75, %sign3A : i32
        %sign3A_77 = arith.extui %sign3A_76 : i1 to i32
        %sign3A_78 = arith.constant 0 : i32
        %sign3A_79 = arith.cmpi slt, %scan3A_75, %sign3A_78 : i32
        %sign3A_80 = arith.extui %sign3A_79 : i1 to i32
        %sign3A_81 = arith.subi %sign3A_77, %sign3A_80 : i32
        %sign3A_82 = arith.constant 0 : i32
        %sign3A_83 = arith.cmpi sgt, %jit3A, %sign3A_82 : i32
        %sign3A_84 = arith.extui %sign3A_83 : i1 to i32
        %sign3A_85 = arith.constant 0 : i32
        %sign3A_86 = arith.cmpi slt, %jit3A, %sign3A_85 : i32
        %sign3A_87 = arith.extui %sign3A_86 : i1 to i32
        %sign3A_88 = arith.subi %sign3A_84, %sign3A_87 : i32
        %ne3A = arith.cmpi ne, %sign3A_81, %sign3A_88 : i32
        %rem3A = arith.remsi %scan3A_75, %jit3A : i32
        %ne3A_89 = arith.constant 0 : i32
        %ne3A_90 = arith.cmpi ne, %rem3A, %ne3A_89 : i32
        %and3A = arith.andi %ne3A, %ne3A_90 : i1
        %sub3A = arith.constant 1 : i32
        %sub3A_91 = arith.subi %div3A, %sub3A : i32
        %select_n3A = arith.select %and3A, %sub3A_91, %div3A : i32
        %jit3A_92 = arith.constant 5 : i32
        %eq3A = arith.constant 0 : i32
        %eq3A_93 = arith.cmpi eq, %jit3A_92, %eq3A : i32
        %jit3A_94 = arith.constant 1 : i32
        %select_n3A_95 = arith.select %eq3A_93, %jit3A_94, %jit3A_92 : i32
        %rem3A_96 = arith.remsi %scan3A_75, %select_n3A_95 : i32
        %ne3A_97 = arith.constant 0 : i32
        %ne3A_98 = arith.cmpi ne, %rem3A_96, %ne3A_97 : i32
        %lt3A = arith.constant 0 : i32
        %lt3A_99 = arith.cmpi slt, %rem3A_96, %lt3A : i32
        %lt3A_100 = arith.constant 0 : i32
        %lt3A_101 = arith.cmpi slt, %select_n3A_95, %lt3A_100 : i32
        %ne3A_102 = arith.xori %lt3A_99, %lt3A_101 : i1
        %and3A_103 = arith.andi %ne3A_102, %ne3A_98 : i1
        %add3A_104 = arith.addi %rem3A_96, %select_n3A_95 : i32
        %select_n3A_105 = arith.select %and3A_103, %add3A_104, %rem3A_96 : i32
        %mul3A_106 = arith.constant 16 : i32
        %mul3A_107 = arith.muli %select_n3A_105, %mul3A_106 : i32
        %get3A = arith.index_cast %select_n3A : i32 to index
        %get3A_108 = arith.index_cast %mul3A_107 : i32 to index
        %get3A_109 = tpu.vector_load %arg7[%get3A, %get3A_108] {strides = array<i32>} : memref<25x80xi32, #tpu.memory_space<vmem>>, vector<1x16xi32>,
        %get3A_110 = vector.shape_cast %get3A_109 : vector<1x16xi32> to vector<16xi32>
        %mul3A_111 = arith.constant 16 : i32
        %mul3A_112 = arith.muli %select_n3A_105, %mul3A_111 : i32
        %get3A_113 = arith.index_cast %select_n3A : i32 to index
        %get3A_114 = arith.index_cast %mul3A_112 : i32 to index
        %get3A_115 = tpu.vector_load %arg8[%get3A_113, %get3A_114] {strides = array<i32>} : memref<25x80xi32, #tpu.memory_space<vmem>>, vector<1x16xi32>,
        %get3A_116 = vector.shape_cast %get3A_115 : vector<1x16xi32> to vector<16xi32>
        %mul3A_117 = arith.constant 5 : i32
        %mul3A_118 = vector.broadcast %mul3A_117 : i32 to vector<16xi32>
        %mul3A_119 = arith.muli %get3A_110, %mul3A_118 : vector<16xi32>
        %add3A_120 = arith.addi %mul3A_119, %get3A_116 : vector<16xi32>
        %mul3A_121 = arith.constant 16 : i32
        %mul3A_122 = arith.muli %select_n3A_105, %mul3A_121 : i32
        %swap3A = arith.index_cast %select_n3A : i32 to index
        %swap3A_123 = arith.index_cast %mul3A_122 : i32 to index
        %swap3A_124 = tpu.vector_load %arg7[%swap3A, %swap3A_123] {strides = array<i32>} : memref<25x80xi32, #tpu.memory_space<vmem>>, vector<1x16xi32>,
        %swap3A_125 = vector.shape_cast %swap3A_124 : vector<1x16xi32> to vector<16xi32>
        %swap3A_126 = vector.shape_cast %add3A_120 : vector<16xi32> to vector<1x16xi32>
        tpu.vector_store %arg7[%swap3A, %swap3A_123], %swap3A_126 {strides = array<i32>} : memref<25x80xi32, #tpu.memory_space<vmem>>, vector<1x16xi32>,
      }
      %scan3A_30 = arith.constant 125 : i32
      %dma_start3A = arith.constant 0 : i32
      %dma_start3A_31 = arith.constant 0 : i32
      %dma_start3A_32 = arith.constant 0 : i32
      %dma_start3A_33 = arith.constant 0 : i32
      %dma_start3A_34 = tpu.memref_slice %arg10[%dma_start3A_31, %dma_start3A_32, %dma_start3A_33] : memref<2x80x128xf32, #tpu.memory_space<vmem>> -> memref<1x80x128xf32, #tpu.memory_space<vmem>>
      %dma_start3A_35 = tpu.memref_squeeze %dma_start3A_34 : memref<1x80x128xf32, #tpu.memory_space<vmem>> -> memref<80x128xf32, #tpu.memory_space<vmem>>
      %dma_start3A_36 = arith.constant 0 : i32
      %dma_start3A_37 = tpu.memref_slice %arg7[%dma_start3A, %dma_start3A_36] : memref<25x80xi32, #tpu.memory_space<vmem>> -> memref<1x80xi32, #tpu.memory_space<vmem>>
      %dma_start3A_38 = tpu.memref_squeeze %dma_start3A_37 : memref<1x80xi32, #tpu.memory_space<vmem>> -> memref<80xi32, #tpu.memory_space<vmem>>
      %dma_start3A_39 = arith.constant 0 : i32
      %dma_start3A_40 = arith.constant 0 : i32
      %dma_start3A_41 = tpu.memref_slice %arg2[%dma_start3A_39, %dma_start3A_40] : memref<50000x128xf32, #tpu.memory_space<hbm>> -> memref<50000x128xf32, #tpu.memory_space<hbm>>
      tpu.enqueue_indirect_dma source(%dma_start3A_41 : memref<50000x128xf32, #tpu.memory_space<hbm>>) target(%dma_start3A_35 : memref<80x128xf32, #tpu.memory_space<vmem>>) offsets(%dma_start3A_38 : memref<80xi32, #tpu.memory_space<vmem>>) semaphore(%arg13 : memref<!tpu.dma_semaphore, #tpu.memory_space<semaphore_mem>>)
      %dma_start3A_42 = arith.constant 1 : i32
      %dma_start3A_43 = arith.constant 1 : i32
      %dma_start3A_44 = arith.constant 0 : i32
      %dma_start3A_45 = arith.constant 0 : i32
      %dma_start3A_46 = tpu.memref_slice %arg10[%dma_start3A_43, %dma_start3A_44, %dma_start3A_45] : memref<2x80x128xf32, #tpu.memory_space<vmem>> -> memref<1x80x128xf32, #tpu.memory_space<vmem>>
      %dma_start3A_47 = tpu.memref_squeeze %dma_start3A_46 : memref<1x80x128xf32, #tpu.memory_space<vmem>> -> memref<80x128xf32, #tpu.memory_space<vmem>>
      %dma_start3A_48 = arith.constant 0 : i32
      %dma_start3A_49 = tpu.memref_slice %arg7[%dma_start3A_42, %dma_start3A_48] : memref<25x80xi32, #tpu.memory_space<vmem>> -> memref<1x80xi32, #tpu.memory_space<vmem>>
      %dma_start3A_50 = tpu.memref_squeeze %dma_start3A_49 : memref<1x80xi32, #tpu.memory_space<vmem>> -> memref<80xi32, #tpu.memory_space<vmem>>
      %dma_start3A_51 = arith.constant 0 : i32
      %dma_start3A_52 = arith.constant 0 : i32
      %dma_start3A_53 = tpu.memref_slice %arg2[%dma_start3A_51, %dma_start3A_52] : memref<50000x128xf32, #tpu.memory_space<hbm>> -> memref<50000x128xf32, #tpu.memory_space<hbm>>
      tpu.enqueue_indirect_dma source(%dma_start3A_53 : memref<50000x128xf32, #tpu.memory_space<hbm>>) target(%dma_start3A_47 : memref<80x128xf32, #tpu.memory_space<vmem>>) offsets(%dma_start3A_50 : memref<80xi32, #tpu.memory_space<vmem>>) semaphore(%arg14 : memref<!tpu.dma_semaphore, #tpu.memory_space<semaphore_mem>>)
      %scan3A_54 = arith.constant 0 : i32
      %scan3A_55 = arith.constant 0 : i32
      %scan3A_56 = arith.constant 12 : i32
      %scan3A_57 = arith.addi %scan3A_55, %scan3A_56 : i32
      %scan3A_58 = arith.constant 1 : i32
      scf.for %scan3A_75 = %scan3A_55 to %scan3A_57 step %scan3A_58  : i32 {
        %mul3A_76 = arith.constant 2 : i32
        %mul3A_77 = arith.muli %scan3A_75, %mul3A_76 : i32
        %add3A_78 = arith.constant 0 : i32
        %add3A_79 = arith.addi %mul3A_77, %add3A_78 : i32
        %dma_wait3A_80 = arith.constant 0 : i32
        %dma_wait3A_81 = arith.constant 0 : i32
        %dma_wait3A_82 = arith.constant 0 : i32
        %dma_wait3A_83 = tpu.memref_slice %arg10[%dma_wait3A_80, %dma_wait3A_81, %dma_wait3A_82] : memref<2x80x128xf32, #tpu.memory_space<vmem>> -> memref<1x80x128xf32, #tpu.memory_space<vmem>>
        %dma_wait3A_84 = tpu.memref_squeeze %dma_wait3A_83 : memref<1x80x128xf32, #tpu.memory_space<vmem>> -> memref<80x128xf32, #tpu.memory_space<vmem>>
        %dma_wait3A_85 = arith.constant 0 : i32
        %dma_wait3A_86 = arith.constant 0 : i32
        %dma_wait3A_87 = tpu.memref_slice %arg2[%dma_wait3A_85, %dma_wait3A_86] : memref<50000x128xf32, #tpu.memory_space<hbm>> -> memref<80x128xf32, #tpu.memory_space<hbm>>
        %dma_wait3A_88 = arith.constant 0 : i32
        %dma_wait3A_89 = arith.constant 0 : i32
        %dma_wait3A_90 = tpu.memref_slice %arg10[%dma_wait3A_80, %dma_wait3A_88, %dma_wait3A_89] : memref<2x80x128xf32, #tpu.memory_space<vmem>> -> memref<1x80x128xf32, #tpu.memory_space<vmem>>
        %dma_wait3A_91 = tpu.memref_squeeze %dma_wait3A_90 : memref<1x80x128xf32, #tpu.memory_space<vmem>> -> memref<80x128xf32, #tpu.memory_space<vmem>>
        %dma_wait3A_92 = arith.constant 0 : i32
        %dma_wait3A_93 = arith.constant 0 : i32
        %dma_wait3A_94 = tpu.memref_slice %arg2[%dma_wait3A_92, %dma_wait3A_93] : memref<50000x128xf32, #tpu.memory_space<hbm>> -> memref<80x128xf32, #tpu.memory_space<hbm>>
        tpu.wait_dma2 semaphore(%arg13 : memref<!tpu.dma_semaphore, #tpu.memory_space<semaphore_mem>>) src(%dma_wait3A_94 : memref<80x128xf32, #tpu.memory_space<hbm>>) dst(%dma_wait3A_91 : memref<80x128xf32, #tpu.memory_space<vmem>>)
        %run_scoped3A_95 = arith.constant 0 : i32
        "tpu.region"() ({
          %run_scoped3A_127 = tpu.sem_alloc : memref<!tpu.dma_semaphore, #tpu.memory_space<semaphore_mem>>
          %dma_start3A_128 = arith.constant 0 : i32
          %dma_start3A_129 = arith.constant 0 : i32
          %dma_start3A_130 = tpu.memref_slice %arg10[%run_scoped3A_95, %dma_start3A_128, %dma_start3A_129] : memref<2x80x128xf32, #tpu.memory_space<vmem>> -> memref<1x80x128xf32, #tpu.memory_space<vmem>>
          %dma_start3A_131 = tpu.memref_squeeze %dma_start3A_130 : memref<1x80x128xf32, #tpu.memory_space<vmem>> -> memref<80x128xf32, #tpu.memory_space<vmem>>
          %dma_start3A_132 = arith.constant 0 : i32
          %dma_start3A_133 = tpu.memref_slice %arg9[%add3A_79, %dma_start3A_132] : memref<25x80xi32, #tpu.memory_space<vmem>> -> memref<1x80xi32, #tpu.memory_space<vmem>>
          %dma_start3A_134 = tpu.memref_squeeze %dma_start3A_133 : memref<1x80xi32, #tpu.memory_space<vmem>> -> memref<80xi32, #tpu.memory_space<vmem>>
          %dma_start3A_135 = arith.constant 0 : i32
          %dma_start3A_136 = arith.constant 0 : i32
          %dma_start3A_137 = tpu.memref_slice %arg12[%dma_start3A_135, %dma_start3A_136] : memref<10112x128xf32, #tpu.memory_space<vmem_shared>> -> memref<10112x128xf32, #tpu.memory_space<vmem_shared>>
          tpu.enqueue_indirect_dma source(%dma_start3A_131 : memref<80x128xf32, #tpu.memory_space<vmem>>) target(%dma_start3A_137 : memref<10112x128xf32, #tpu.memory_space<vmem_shared>>) offsets(%dma_start3A_134 : memref<80xi32, #tpu.memory_space<vmem>>) semaphore(%run_scoped3A_127 : memref<!tpu.dma_semaphore, #tpu.memory_space<semaphore_mem>>) {add = true}
          %dma_wait3A_138 = arith.constant 0 : i32
          %dma_wait3A_139 = arith.constant 0 : i32
          %dma_wait3A_140 = tpu.memref_slice %arg10[%run_scoped3A_95, %dma_wait3A_138, %dma_wait3A_139] : memref<2x80x128xf32, #tpu.memory_space<vmem>> -> memref<1x80x128xf32, #tpu.memory_space<vmem>>
          %dma_wait3A_141 = tpu.memref_squeeze %dma_wait3A_140 : memref<1x80x128xf32, #tpu.memory_space<vmem>> -> memref<80x128xf32, #tpu.memory_space<vmem>>
          %dma_wait3A_142 = arith.constant 0 : i32
          %dma_wait3A_143 = tpu.memref_slice %arg9[%add3A_79, %dma_wait3A_142] : memref<25x80xi32, #tpu.memory_space<vmem>> -> memref<1x80xi32, #tpu.memory_space<vmem>>
          %dma_wait3A_144 = tpu.memref_squeeze %dma_wait3A_143 : memref<1x80xi32, #tpu.memory_space<vmem>> -> memref<80xi32, #tpu.memory_space<vmem>>
          %dma_wait3A_145 = arith.constant 0 : i32
          %dma_wait3A_146 = arith.constant 0 : i32
          %dma_wait3A_147 = tpu.memref_slice %arg12[%dma_wait3A_145, %dma_wait3A_146] : memref<10112x128xf32, #tpu.memory_space<vmem_shared>> -> memref<10112x128xf32, #tpu.memory_space<vmem_shared>>
          tpu.wait_indirect_dma semaphore(%run_scoped3A_127 : memref<!tpu.dma_semaphore, #tpu.memory_space<semaphore_mem>>) src(%dma_wait3A_141 : memref<80x128xf32, #tpu.memory_space<vmem>>) dst(%dma_wait3A_147 : memref<10112x128xf32, #tpu.memory_space<vmem_shared>>)
          tpu.yield
        }) : () -> ()
        %add3A_96 = arith.constant 2 : i32
        %add3A_97 = arith.addi %add3A_79, %add3A_96 : i32
        %lt3A = arith.constant 25 : i32
        %lt3A_98 = arith.cmpi slt, %add3A_97, %lt3A : i32
        %convert_element_type3A = arith.extui %lt3A_98 : i1 to i32
        %cond3A = arith.constant 0 : i32
        %cond3A_99 = arith.cmpi ne, %convert_element_type3A, %cond3A : i32
        scf.if %cond3A_99 {
          %dma_start3A_127 = arith.constant 0 : i32
          %dma_start3A_128 = arith.constant 0 : i32
          %dma_start3A_129 = arith.constant 0 : i32
          %dma_start3A_130 = tpu.memref_slice %arg10[%dma_start3A_127, %dma_start3A_128, %dma_start3A_129] : memref<2x80x128xf32, #tpu.memory_space<vmem>> -> memref<1x80x128xf32, #tpu.memory_space<vmem>>
          %dma_start3A_131 = tpu.memref_squeeze %dma_start3A_130 : memref<1x80x128xf32, #tpu.memory_space<vmem>> -> memref<80x128xf32, #tpu.memory_space<vmem>>
          %dma_start3A_132 = arith.constant 0 : i32
          %dma_start3A_133 = tpu.memref_slice %arg7[%add3A_97, %dma_start3A_132] : memref<25x80xi32, #tpu.memory_space<vmem>> -> memref<1x80xi32, #tpu.memory_space<vmem>>
          %dma_start3A_134 = tpu.memref_squeeze %dma_start3A_133 : memref<1x80xi32, #tpu.memory_space<vmem>> -> memref<80xi32, #tpu.memory_space<vmem>>
          %dma_start3A_135 = arith.constant 0 : i32
          %dma_start3A_136 = arith.constant 0 : i32
          %dma_start3A_137 = tpu.memref_slice %arg2[%dma_start3A_135, %dma_start3A_136] : memref<50000x128xf32, #tpu.memory_space<hbm>> -> memref<50000x128xf32, #tpu.memory_space<hbm>>
          tpu.enqueue_indirect_dma source(%dma_start3A_137 : memref<50000x128xf32, #tpu.memory_space<hbm>>) target(%dma_start3A_131 : memref<80x128xf32, #tpu.memory_space<vmem>>) offsets(%dma_start3A_134 : memref<80xi32, #tpu.memory_space<vmem>>) semaphore(%arg13 : memref<!tpu.dma_semaphore, #tpu.memory_space<semaphore_mem>>)
        } else {
        }
        %mul3A_100 = arith.constant 2 : i32
        %mul3A_101 = arith.muli %scan3A_75, %mul3A_100 : i32
        %add3A_102 = arith.constant 1 : i32
        %add3A_103 = arith.addi %mul3A_101, %add3A_102 : i32
        %dma_wait3A_104 = arith.constant 1 : i32
        %dma_wait3A_105 = arith.constant 0 : i32
        %dma_wait3A_106 = arith.constant 0 : i32
        %dma_wait3A_107 = tpu.memref_slice %arg10[%dma_wait3A_104, %dma_wait3A_105, %dma_wait3A_106] : memref<2x80x128xf32, #tpu.memory_space<vmem>> -> memref<1x80x128xf32, #tpu.memory_space<vmem>>
        %dma_wait3A_108 = tpu.memref_squeeze %dma_wait3A_107 : memref<1x80x128xf32, #tpu.memory_space<vmem>> -> memref<80x128xf32, #tpu.memory_space<vmem>>
        %dma_wait3A_109 = arith.constant 0 : i32
        %dma_wait3A_110 = arith.constant 0 : i32
        %dma_wait3A_111 = tpu.memref_slice %arg2[%dma_wait3A_109, %dma_wait3A_110] : memref<50000x128xf32, #tpu.memory_space<hbm>> -> memref<80x128xf32, #tpu.memory_space<hbm>>
        %dma_wait3A_112 = arith.constant 0 : i32
        %dma_wait3A_113 = arith.constant 0 : i32
        %dma_wait3A_114 = tpu.memref_slice %arg10[%dma_wait3A_104, %dma_wait3A_112, %dma_wait3A_113] : memref<2x80x128xf32, #tpu.memory_space<vmem>> -> memref<1x80x128xf32, #tpu.memory_space<vmem>>
        %dma_wait3A_115 = tpu.memref_squeeze %dma_wait3A_114 : memref<1x80x128xf32, #tpu.memory_space<vmem>> -> memref<80x128xf32, #tpu.memory_space<vmem>>
        %dma_wait3A_116 = arith.constant 0 : i32
        %dma_wait3A_117 = arith.constant 0 : i32
        %dma_wait3A_118 = tpu.memref_slice %arg2[%dma_wait3A_116, %dma_wait3A_117] : memref<50000x128xf32, #tpu.memory_space<hbm>> -> memref<80x128xf32, #tpu.memory_space<hbm>>
        tpu.wait_dma2 semaphore(%arg14 : memref<!tpu.dma_semaphore, #tpu.memory_space<semaphore_mem>>) src(%dma_wait3A_118 : memref<80x128xf32, #tpu.memory_space<hbm>>) dst(%dma_wait3A_115 : memref<80x128xf32, #tpu.memory_space<vmem>>)
        %run_scoped3A_119 = arith.constant 1 : i32
        "tpu.region"() ({
          %run_scoped3A_127 = tpu.sem_alloc : memref<!tpu.dma_semaphore, #tpu.memory_space<semaphore_mem>>
          %dma_start3A_128 = arith.constant 0 : i32
          %dma_start3A_129 = arith.constant 0 : i32
          %dma_start3A_130 = tpu.memref_slice %arg10[%run_scoped3A_119, %dma_start3A_128, %dma_start3A_129] : memref<2x80x128xf32, #tpu.memory_space<vmem>> -> memref<1x80x128xf32, #tpu.memory_space<vmem>>
          %dma_start3A_131 = tpu.memref_squeeze %dma_start3A_130 : memref<1x80x128xf32, #tpu.memory_space<vmem>> -> memref<80x128xf32, #tpu.memory_space<vmem>>
          %dma_start3A_132 = arith.constant 0 : i32
          %dma_start3A_133 = tpu.memref_slice %arg9[%add3A_103, %dma_start3A_132] : memref<25x80xi32, #tpu.memory_space<vmem>> -> memref<1x80xi32, #tpu.memory_space<vmem>>
          %dma_start3A_134 = tpu.memref_squeeze %dma_start3A_133 : memref<1x80xi32, #tpu.memory_space<vmem>> -> memref<80xi32, #tpu.memory_space<vmem>>
          %dma_start3A_135 = arith.constant 0 : i32
          %dma_start3A_136 = arith.constant 0 : i32
          %dma_start3A_137 = tpu.memref_slice %arg12[%dma_start3A_135, %dma_start3A_136] : memref<10112x128xf32, #tpu.memory_space<vmem_shared>> -> memref<10112x128xf32, #tpu.memory_space<vmem_shared>>
          tpu.enqueue_indirect_dma source(%dma_start3A_131 : memref<80x128xf32, #tpu.memory_space<vmem>>) target(%dma_start3A_137 : memref<10112x128xf32, #tpu.memory_space<vmem_shared>>) offsets(%dma_start3A_134 : memref<80xi32, #tpu.memory_space<vmem>>) semaphore(%run_scoped3A_127 : memref<!tpu.dma_semaphore, #tpu.memory_space<semaphore_mem>>) {add = true}
          %dma_wait3A_138 = arith.constant 0 : i32
          %dma_wait3A_139 = arith.constant 0 : i32
          %dma_wait3A_140 = tpu.memref_slice %arg10[%run_scoped3A_119, %dma_wait3A_138, %dma_wait3A_139] : memref<2x80x128xf32, #tpu.memory_space<vmem>> -> memref<1x80x128xf32, #tpu.memory_space<vmem>>
          %dma_wait3A_141 = tpu.memref_squeeze %dma_wait3A_140 : memref<1x80x128xf32, #tpu.memory_space<vmem>> -> memref<80x128xf32, #tpu.memory_space<vmem>>
          %dma_wait3A_142 = arith.constant 0 : i32
          %dma_wait3A_143 = tpu.memref_slice %arg9[%add3A_103, %dma_wait3A_142] : memref<25x80xi32, #tpu.memory_space<vmem>> -> memref<1x80xi32, #tpu.memory_space<vmem>>
          %dma_wait3A_144 = tpu.memref_squeeze %dma_wait3A_143 : memref<1x80xi32, #tpu.memory_space<vmem>> -> memref<80xi32, #tpu.memory_space<vmem>>
          %dma_wait3A_145 = arith.constant 0 : i32
          %dma_wait3A_146 = arith.constant 0 : i32
          %dma_wait3A_147 = tpu.memref_slice %arg12[%dma_wait3A_145, %dma_wait3A_146] : memref<10112x128xf32, #tpu.memory_space<vmem_shared>> -> memref<10112x128xf32, #tpu.memory_space<vmem_shared>>
          tpu.wait_indirect_dma semaphore(%run_scoped3A_127 : memref<!tpu.dma_semaphore, #tpu.memory_space<semaphore_mem>>) src(%dma_wait3A_141 : memref<80x128xf32, #tpu.memory_space<vmem>>) dst(%dma_wait3A_147 : memref<10112x128xf32, #tpu.memory_space<vmem_shared>>)
          tpu.yield
        }) : () -> ()
        %add3A_120 = arith.constant 2 : i32
        %add3A_121 = arith.addi %add3A_103, %add3A_120 : i32
        %lt3A_122 = arith.constant 25 : i32
        %lt3A_123 = arith.cmpi slt, %add3A_121, %lt3A_122 : i32
        %convert_element_type3A_124 = arith.extui %lt3A_123 : i1 to i32
        %cond3A_125 = arith.constant 0 : i32
        %cond3A_126 = arith.cmpi ne, %convert_element_type3A_124, %cond3A_125 : i32
        scf.if %cond3A_126 {
          %dma_start3A_127 = arith.constant 1 : i32
          %dma_start3A_128 = arith.constant 0 : i32
          %dma_start3A_129 = arith.constant 0 : i32
          %dma_start3A_130 = tpu.memref_slice %arg10[%dma_start3A_127, %dma_start3A_128, %dma_start3A_129] : memref<2x80x128xf32, #tpu.memory_space<vmem>> -> memref<1x80x128xf32, #tpu.memory_space<vmem>>
          %dma_start3A_131 = tpu.memref_squeeze %dma_start3A_130 : memref<1x80x128xf32, #tpu.memory_space<vmem>> -> memref<80x128xf32, #tpu.memory_space<vmem>>
          %dma_start3A_132 = arith.constant 0 : i32
          %dma_start3A_133 = tpu.memref_slice %arg7[%add3A_121, %dma_start3A_132] : memref<25x80xi32, #tpu.memory_space<vmem>> -> memref<1x80xi32, #tpu.memory_space<vmem>>
          %dma_start3A_134 = tpu.memref_squeeze %dma_start3A_133 : memref<1x80xi32, #tpu.memory_space<vmem>> -> memref<80xi32, #tpu.memory_space<vmem>>
          %dma_start3A_135 = arith.constant 0 : i32
          %dma_start3A_136 = arith.constant 0 : i32
          %dma_start3A_137 = tpu.memref_slice %arg2[%dma_start3A_135, %dma_start3A_136] : memref<50000x128xf32, #tpu.memory_space<hbm>> -> memref<50000x128xf32, #tpu.memory_space<hbm>>
          tpu.enqueue_indirect_dma source(%dma_start3A_137 : memref<50000x128xf32, #tpu.memory_space<hbm>>) target(%dma_start3A_131 : memref<80x128xf32, #tpu.memory_space<vmem>>) offsets(%dma_start3A_134 : memref<80xi32, #tpu.memory_space<vmem>>) semaphore(%arg14 : memref<!tpu.dma_semaphore, #tpu.memory_space<semaphore_mem>>)
        } else {
        }
      }
      %scan3A_59 = arith.constant 12 : i32
      %dma_wait3A = arith.constant 0 : i32
      %dma_wait3A_60 = arith.constant 0 : i32
      %dma_wait3A_61 = arith.constant 0 : i32
      %dma_wait3A_62 = tpu.memref_slice %arg10[%dma_wait3A, %dma_wait3A_60, %dma_wait3A_61] : memref<2x80x128xf32, #tpu.memory_space<vmem>> -> memref<1x80x128xf32, #tpu.memory_space<vmem>>
      %dma_wait3A_63 = tpu.memref_squeeze %dma_wait3A_62 : memref<1x80x128xf32, #tpu.memory_space<vmem>> -> memref<80x128xf32, #tpu.memory_space<vmem>>
      %dma_wait3A_64 = arith.constant 0 : i32
      %dma_wait3A_65 = arith.constant 0 : i32
      %dma_wait3A_66 = tpu.memref_slice %arg2[%dma_wait3A_64, %dma_wait3A_65] : memref<50000x128xf32, #tpu.memory_space<hbm>> -> memref<80x128xf32, #tpu.memory_space<hbm>>
      %dma_wait3A_67 = arith.constant 0 : i32
      %dma_wait3A_68 = arith.constant 0 : i32
      %dma_wait3A_69 = tpu.memref_slice %arg10[%dma_wait3A, %dma_wait3A_67, %dma_wait3A_68] : memref<2x80x128xf32, #tpu.memory_space<vmem>> -> memref<1x80x128xf32, #tpu.memory_space<vmem>>
      %dma_wait3A_70 = tpu.memref_squeeze %dma_wait3A_69 : memref<1x80x128xf32, #tpu.memory_space<vmem>> -> memref<80x128xf32, #tpu.memory_space<vmem>>
      %dma_wait3A_71 = arith.constant 0 : i32
      %dma_wait3A_72 = arith.constant 0 : i32
      %dma_wait3A_73 = tpu.memref_slice %arg2[%dma_wait3A_71, %dma_wait3A_72] : memref<50000x128xf32, #tpu.memory_space<hbm>> -> memref<80x128xf32, #tpu.memory_space<hbm>>
      tpu.wait_dma2 semaphore(%arg13 : memref<!tpu.dma_semaphore, #tpu.memory_space<semaphore_mem>>) src(%dma_wait3A_73 : memref<80x128xf32, #tpu.memory_space<hbm>>) dst(%dma_wait3A_70 : memref<80x128xf32, #tpu.memory_space<vmem>>)
      %run_scoped3A = arith.constant 0 : i32
      %run_scoped3A_74 = arith.constant 24 : i32
      "tpu.region"() ({
        %run_scoped3A_75 = tpu.sem_alloc : memref<!tpu.dma_semaphore, #tpu.memory_space<semaphore_mem>>
        %dma_start3A_76 = arith.constant 0 : i32
        %dma_start3A_77 = arith.constant 0 : i32
        %dma_start3A_78 = tpu.memref_slice %arg10[%run_scoped3A, %dma_start3A_76, %dma_start3A_77] : memref<2x80x128xf32, #tpu.memory_space<vmem>> -> memref<1x80x128xf32, #tpu.memory_space<vmem>>
        %dma_start3A_79 = tpu.memref_squeeze %dma_start3A_78 : memref<1x80x128xf32, #tpu.memory_space<vmem>> -> memref<80x128xf32, #tpu.memory_space<vmem>>
        %dma_start3A_80 = arith.constant 0 : i32
        %dma_start3A_81 = tpu.memref_slice %arg9[%run_scoped3A_74, %dma_start3A_80] : memref<25x80xi32, #tpu.memory_space<vmem>> -> memref<1x80xi32, #tpu.memory_space<vmem>>
        %dma_start3A_82 = tpu.memref_squeeze %dma_start3A_81 : memref<1x80xi32, #tpu.memory_space<vmem>> -> memref<80xi32, #tpu.memory_space<vmem>>
        %dma_start3A_83 = arith.constant 0 : i32
        %dma_start3A_84 = arith.constant 0 : i32
        %dma_start3A_85 = tpu.memref_slice %arg12[%dma_start3A_83, %dma_start3A_84] : memref<10112x128xf32, #tpu.memory_space<vmem_shared>> -> memref<10112x128xf32, #tpu.memory_space<vmem_shared>>
        tpu.enqueue_indirect_dma source(%dma_start3A_79 : memref<80x128xf32, #tpu.memory_space<vmem>>) target(%dma_start3A_85 : memref<10112x128xf32, #tpu.memory_space<vmem_shared>>) offsets(%dma_start3A_82 : memref<80xi32, #tpu.memory_space<vmem>>) semaphore(%run_scoped3A_75 : memref<!tpu.dma_semaphore, #tpu.memory_space<semaphore_mem>>) {add = true}
        %dma_wait3A_86 = arith.constant 0 : i32
        %dma_wait3A_87 = arith.constant 0 : i32
        %dma_wait3A_88 = tpu.memref_slice %arg10[%run_scoped3A, %dma_wait3A_86, %dma_wait3A_87] : memref<2x80x128xf32, #tpu.memory_space<vmem>> -> memref<1x80x128xf32, #tpu.memory_space<vmem>>
        %dma_wait3A_89 = tpu.memref_squeeze %dma_wait3A_88 : memref<1x80x128xf32, #tpu.memory_space<vmem>> -> memref<80x128xf32, #tpu.memory_space<vmem>>
        %dma_wait3A_90 = arith.constant 0 : i32
        %dma_wait3A_91 = tpu.memref_slice %arg9[%run_scoped3A_74, %dma_wait3A_90] : memref<25x80xi32, #tpu.memory_space<vmem>> -> memref<1x80xi32, #tpu.memory_space<vmem>>
        %dma_wait3A_92 = tpu.memref_squeeze %dma_wait3A_91 : memref<1x80xi32, #tpu.memory_space<vmem>> -> memref<80xi32, #tpu.memory_space<vmem>>
        %dma_wait3A_93 = arith.constant 0 : i32
        %dma_wait3A_94 = arith.constant 0 : i32
        %dma_wait3A_95 = tpu.memref_slice %arg12[%dma_wait3A_93, %dma_wait3A_94] : memref<10112x128xf32, #tpu.memory_space<vmem_shared>> -> memref<10112x128xf32, #tpu.memory_space<vmem_shared>>
        tpu.wait_indirect_dma semaphore(%run_scoped3A_75 : memref<!tpu.dma_semaphore, #tpu.memory_space<semaphore_mem>>) src(%dma_wait3A_89 : memref<80x128xf32, #tpu.memory_space<vmem>>) dst(%dma_wait3A_95 : memref<10112x128xf32, #tpu.memory_space<vmem_shared>>)
        tpu.yield
      }) : () -> ()
    }
    %scan3A_18 = arith.constant 5 : i32
    %barrier3A_19 = arith.constant 0 : index
    tpu.barrier barrier_id(%barrier3A_19)
    %mul3A_20 = arith.constant 632 : i32
    %mul3A_21 = arith.muli %arg1, %mul3A_20 : i32
    %mul3A_22 = arith.constant 632 : i32
    %mul3A_23 = arith.muli %arg1, %mul3A_22 : i32
    "tpu.region"() ({
      %run_scoped3A = tpu.sem_alloc : memref<!tpu.dma_semaphore, #tpu.memory_space<semaphore_mem>>
      %dma_start3A = arith.constant 0 : i32
      %dma_start3A_24 = tpu.memref_slice %arg6[%arg0, %mul3A_23, %dma_start3A] : memref<2x10112x128xf32, #tpu.memory_space<hbm>> -> memref<1x632x128xf32, #tpu.memory_space<hbm>>
      %dma_start3A_25 = tpu.memref_squeeze %dma_start3A_24 : memref<1x632x128xf32, #tpu.memory_space<hbm>> -> memref<632x128xf32, #tpu.memory_space<hbm>>
      %dma_start3A_26 = arith.constant 0 : i32
      %dma_start3A_27 = tpu.memref_slice %arg12[%mul3A_21, %dma_start3A_26] : memref<10112x128xf32, #tpu.memory_space<vmem_shared>> -> memref<632x128xf32, #tpu.memory_space<vmem_shared>>
      tpu.enqueue_dma source(%dma_start3A_27 : memref<632x128xf32, #tpu.memory_space<vmem_shared>>) target(%dma_start3A_25 : memref<632x128xf32, #tpu.memory_space<hbm>>) target_semaphore(%run_scoped3A : memref<!tpu.dma_semaphore, #tpu.memory_space<semaphore_mem>>)
      %dma_wait3A = arith.constant 0 : i32
      %dma_wait3A_28 = tpu.memref_slice %arg6[%arg0, %mul3A_23, %dma_wait3A] : memref<2x10112x128xf32, #tpu.memory_space<hbm>> -> memref<1x632x128xf32, #tpu.memory_space<hbm>>
      %dma_wait3A_29 = tpu.memref_squeeze %dma_wait3A_28 : memref<1x632x128xf32, #tpu.memory_space<hbm>> -> memref<632x128xf32, #tpu.memory_space<hbm>>
      %dma_wait3A_30 = arith.constant 0 : i32
      %dma_wait3A_31 = tpu.memref_slice %arg12[%mul3A_21, %dma_wait3A_30] : memref<10112x128xf32, #tpu.memory_space<vmem_shared>> -> memref<632x128xf32, #tpu.memory_space<vmem_shared>>
      tpu.wait_dma2 semaphore(%run_scoped3A : memref<!tpu.dma_semaphore, #tpu.memory_space<semaphore_mem>>) src(%dma_wait3A_31 : memref<632x128xf32, #tpu.memory_space<vmem_shared>>) dst(%dma_wait3A_29 : memref<632x128xf32, #tpu.memory_space<hbm>>)
      tpu.yield
    }) : () -> ()
    return
  }
}

module attributes {stable_mosaic.version = 14 : i64} {
  func.func @_mm_body(%arg0: i32, %arg1: memref<1000x128xf32, #tpu.memory_space<vmem>>, %arg2: memref<128x640xf32, #tpu.memory_space<vmem>>, %arg3: memref<1000x640xf32, #tpu.memory_space<vmem>>) attributes {dimension_semantics = [#tpu.dimension_semantics<arbitrary>], iteration_bounds = array<i64: 10>, scalar_prefetch = 0 : i64, scratch_operands = 0 : i64, tpu.core_type = #tpu.core_type<tc>, window_params = [{transform_indices = @transform_0, window_bounds = array<i64: 1000, 128>}, {pipeline_mode = #tpu.pipeline_mode<synchronous>, transform_indices = @transform_1, window_bounds = array<i64: 128, 640>}, {transform_indices = @transform_2, window_bounds = array<i64: 1000, 640>}]} {
    %get3A = arith.constant 0 : index
    %get3A_0 = arith.constant 0 : index
    %get3A_1 = vector.load %arg1[%get3A, %get3A_0] : memref<1000x128xf32, #tpu.memory_space<vmem>>, vector<1000x128xf32>
    %get3A_2 = arith.constant 0 : index
    %get3A_3 = arith.constant 0 : index
    %get3A_4 = vector.load %arg2[%get3A_2, %get3A_3] : memref<128x640xf32, #tpu.memory_space<vmem>>, vector<128x640xf32>
    %dot_general3A = arith.constant dense<0.000000e+00> : vector<1000x640xf32>
    %dot_general3A_5 = tpu.matmul %get3A_1, %get3A_4, %dot_general3A {dimension_numbers = #tpu.dot_dimension_numbers<[1], [0], [0], [1], [0, 0, 1, 1], [], []>, transpose_lhs_hint = false} : vector<1000x128xf32>, vector<128x640xf32>, vector<1000x640xf32> -> vector<1000x640xf32>
    %swap3A = arith.constant 0 : index
    %swap3A_6 = arith.constant 0 : index
    %swap3A_7 = vector.load %arg3[%swap3A, %swap3A_6] : memref<1000x640xf32, #tpu.memory_space<vmem>>, vector<1000x640xf32>
    tpu.vector_store %arg3[%swap3A, %swap3A_6], %dot_general3A_5 {strides = array<i32>} : memref<1000x640xf32, #tpu.memory_space<vmem>>, vector<1000x640xf32>,
    return
  }
  func.func @transform_0(%arg0: i32) -> (i32, i32) {
    %c0_i32 = arith.constant 0 : i32
    %c0_i32_0 = arith.constant 0 : i32
    return %arg0, %c0_i32 : i32, i32
  }
  func.func @transform_1(%arg0: i32) -> (i32, i32) {
    %c0_i32 = arith.constant 0 : i32
    %c0_i32_0 = arith.constant 0 : i32
    %c0_i32_1 = arith.constant 0 : i32
    return %c0_i32, %c0_i32_0 : i32, i32
  }
  func.func @transform_2(%arg0: i32) -> (i32, i32) {
    %c0_i32 = arith.constant 0 : i32
    %c0_i32_0 = arith.constant 0 : i32
    return %arg0, %c0_i32 : i32, i32
  }
}

module attributes {stable_mosaic.version = 14 : i64} {
  func.func @_layer_body(%arg0: i32, %arg1: memref<1000x128xf32, #tpu.memory_space<vmem>>, %arg2: memref<1000x128xf32, #tpu.memory_space<vmem>>, %arg3: memref<1000x128xf32, #tpu.memory_space<vmem>>, %arg4: memref<1x128xf32, #tpu.memory_space<vmem>>, %arg5: memref<128x640xf32, #tpu.memory_space<vmem>>, %arg6: memref<1000x640xf32, #tpu.memory_space<vmem>>) attributes {dimension_semantics = [#tpu.dimension_semantics<arbitrary>], iteration_bounds = array<i64: 10>, scalar_prefetch = 0 : i64, scratch_operands = 0 : i64, tpu.core_type = #tpu.core_type<tc>, window_params = [{transform_indices = @transform_0, window_bounds = array<i64: 1000, 128>}, {transform_indices = @transform_1, window_bounds = array<i64: 1000, 128>}, {transform_indices = @transform_2, window_bounds = array<i64: 1000, 128>}, {pipeline_mode = #tpu.pipeline_mode<synchronous>, transform_indices = @transform_3, window_bounds = array<i64: 1, 128>}, {pipeline_mode = #tpu.pipeline_mode<synchronous>, transform_indices = @transform_4, window_bounds = array<i64: 128, 640>}, {transform_indices = @transform_5, window_bounds = array<i64: 1000, 640>}]} {
    %get3A = arith.constant 0 : index
    %get3A_0 = arith.constant 0 : index
    %get3A_1 = vector.load %arg1[%get3A, %get3A_0] : memref<1000x128xf32, #tpu.memory_space<vmem>>, vector<1000x128xf32>
    %get3A_2 = arith.constant 0 : index
    %get3A_3 = arith.constant 0 : index
    %get3A_4 = vector.load %arg2[%get3A_2, %get3A_3] : memref<1000x128xf32, #tpu.memory_space<vmem>>, vector<1000x128xf32>
    %add3A = arith.addf %get3A_1, %get3A_4 : vector<1000x128xf32>
    %get3A_5 = arith.constant 0 : index
    %get3A_6 = arith.constant 0 : index
    %get3A_7 = vector.load %arg3[%get3A_5, %get3A_6] : memref<1000x128xf32, #tpu.memory_space<vmem>>, vector<1000x128xf32>
    %add3A_8 = arith.addf %add3A, %get3A_7 : vector<1000x128xf32>
    %get3A_9 = arith.constant 0 : index
    %get3A_10 = arith.constant 0 : index
    %get3A_11 = vector.load %arg4[%get3A_9, %get3A_10] : memref<1x128xf32, #tpu.memory_space<vmem>>, vector<1x128xf32>
    %add3A_12 = vector.broadcast %get3A_11 : vector<1x128xf32> to vector<1000x128xf32>
    %add3A_13 = arith.addf %add3A_8, %add3A_12 : vector<1000x128xf32>
    %max3A = arith.constant 0.000000e+00 : f32
    %max3A_14 = vector.broadcast %max3A : f32 to vector<1000x128xf32>
    %max3A_15 = arith.maximumf %add3A_13, %max3A_14 : vector<1000x128xf32>
    %get3A_16 = arith.constant 0 : index
    %get3A_17 = arith.constant 0 : index
    %get3A_18 = vector.load %arg5[%get3A_16, %get3A_17] : memref<128x640xf32, #tpu.memory_space<vmem>>, vector<128x640xf32>
    %dot_general3A = arith.constant dense<0.000000e+00> : vector<1000x640xf32>
    %dot_general3A_19 = tpu.matmul %max3A_15, %get3A_18, %dot_general3A {dimension_numbers = #tpu.dot_dimension_numbers<[1], [0], [0], [1], [0, 0, 1, 1], [], []>, transpose_lhs_hint = false} : vector<1000x128xf32>, vector<128x640xf32>, vector<1000x640xf32> -> vector<1000x640xf32>
    %swap3A = arith.constant 0 : index
    %swap3A_20 = arith.constant 0 : index
    %swap3A_21 = vector.load %arg6[%swap3A, %swap3A_20] : memref<1000x640xf32, #tpu.memory_space<vmem>>, vector<1000x640xf32>
    tpu.vector_store %arg6[%swap3A, %swap3A_20], %dot_general3A_19 {strides = array<i32>} : memref<1000x640xf32, #tpu.memory_space<vmem>>, vector<1000x640xf32>,
    return
  }
  func.func @transform_0(%arg0: i32) -> (i32, i32) {
    %c0_i32 = arith.constant 0 : i32
    %c0_i32_0 = arith.constant 0 : i32
    return %arg0, %c0_i32 : i32, i32
  }
  func.func @transform_1(%arg0: i32) -> (i32, i32) {
    %c0_i32 = arith.constant 0 : i32
    %c0_i32_0 = arith.constant 0 : i32
    return %arg0, %c0_i32 : i32, i32
  }
  func.func @transform_2(%arg0: i32) -> (i32, i32) {
    %c0_i32 = arith.constant 0 : i32
    %c0_i32_0 = arith.constant 0 : i32
    return %arg0, %c0_i32 : i32, i32
  }
  func.func @transform_3(%arg0: i32) -> (i32, i32) {
    %c0_i32 = arith.constant 0 : i32
    %c0_i32_0 = arith.constant 0 : i32
    %c0_i32_1 = arith.constant 0 : i32
    return %c0_i32, %c0_i32_0 : i32, i32
  }
  func.func @transform_4(%arg0: i32) -> (i32, i32) {
    %c0_i32 = arith.constant 0 : i32
    %c0_i32_0 = arith.constant 0 : i32
    %c0_i32_1 = arith.constant 0 : i32
    return %c0_i32, %c0_i32_0 : i32, i32
  }
  func.func @transform_5(%arg0: i32) -> (i32, i32) {
    %c0_i32 = arith.constant 0 : i32
    %c0_i32_0 = arith.constant 0 : i32
    return %arg0, %c0_i32 : i32, i32
  }
}

module attributes {stable_mosaic.version = 14 : i64} {
  func.func @_finalh_body(%arg0: i32, %arg1: memref<1000x128xf32, #tpu.memory_space<vmem>>, %arg2: memref<1000x128xf32, #tpu.memory_space<vmem>>, %arg3: memref<1000x128xf32, #tpu.memory_space<vmem>>, %arg4: memref<1x128xf32, #tpu.memory_space<vmem>>, %arg5: memref<128x128xf32, #tpu.memory_space<vmem>>, %arg6: memref<1x128xf32, #tpu.memory_space<vmem>>, %arg7: memref<1000x128xf32, #tpu.memory_space<vmem>>, %arg8: memref<1000x128xf32, #tpu.memory_space<vmem>>) attributes {dimension_semantics = [#tpu.dimension_semantics<arbitrary>], iteration_bounds = array<i64: 10>, scalar_prefetch = 0 : i64, scratch_operands = 0 : i64, tpu.core_type = #tpu.core_type<tc>, window_params = [{transform_indices = @transform_0, window_bounds = array<i64: 1000, 128>}, {transform_indices = @transform_1, window_bounds = array<i64: 1000, 128>}, {transform_indices = @transform_2, window_bounds = array<i64: 1000, 128>}, {pipeline_mode = #tpu.pipeline_mode<synchronous>, transform_indices = @transform_3, window_bounds = array<i64: 1, 128>}, {pipeline_mode = #tpu.pipeline_mode<synchronous>, transform_indices = @transform_4, window_bounds = array<i64: 128, 128>}, {pipeline_mode = #tpu.pipeline_mode<synchronous>, transform_indices = @transform_5, window_bounds = array<i64: 1, 128>}, {transform_indices = @transform_6, window_bounds = array<i64: 1000, 128>}, {transform_indices = @transform_7, window_bounds = array<i64: 1000, 128>}]} {
    %get3A = arith.constant 0 : index
    %get3A_0 = arith.constant 0 : index
    %get3A_1 = vector.load %arg1[%get3A, %get3A_0] : memref<1000x128xf32, #tpu.memory_space<vmem>>, vector<1000x128xf32>
    %get3A_2 = arith.constant 0 : index
    %get3A_3 = arith.constant 0 : index
    %get3A_4 = vector.load %arg2[%get3A_2, %get3A_3] : memref<1000x128xf32, #tpu.memory_space<vmem>>, vector<1000x128xf32>
    %add3A = arith.addf %get3A_1, %get3A_4 : vector<1000x128xf32>
    %get3A_5 = arith.constant 0 : index
    %get3A_6 = arith.constant 0 : index
    %get3A_7 = vector.load %arg3[%get3A_5, %get3A_6] : memref<1000x128xf32, #tpu.memory_space<vmem>>, vector<1000x128xf32>
    %add3A_8 = arith.addf %add3A, %get3A_7 : vector<1000x128xf32>
    %get3A_9 = arith.constant 0 : index
    %get3A_10 = arith.constant 0 : index
    %get3A_11 = vector.load %arg4[%get3A_9, %get3A_10] : memref<1x128xf32, #tpu.memory_space<vmem>>, vector<1x128xf32>
    %add3A_12 = vector.broadcast %get3A_11 : vector<1x128xf32> to vector<1000x128xf32>
    %add3A_13 = arith.addf %add3A_8, %add3A_12 : vector<1000x128xf32>
    %max3A = arith.constant 0.000000e+00 : f32
    %max3A_14 = vector.broadcast %max3A : f32 to vector<1000x128xf32>
    %max3A_15 = arith.maximumf %add3A_13, %max3A_14 : vector<1000x128xf32>
    %swap3A = arith.constant 0 : index
    %swap3A_16 = arith.constant 0 : index
    %swap3A_17 = vector.load %arg7[%swap3A, %swap3A_16] : memref<1000x128xf32, #tpu.memory_space<vmem>>, vector<1000x128xf32>
    tpu.vector_store %arg7[%swap3A, %swap3A_16], %max3A_15 {strides = array<i32>} : memref<1000x128xf32, #tpu.memory_space<vmem>>, vector<1000x128xf32>,
    %get3A_18 = arith.constant 0 : index
    %get3A_19 = arith.constant 0 : index
    %get3A_20 = vector.load %arg5[%get3A_18, %get3A_19] : memref<128x128xf32, #tpu.memory_space<vmem>>, vector<128x128xf32>
    %dot_general3A = arith.constant dense<0.000000e+00> : vector<1000x128xf32>
    %dot_general3A_21 = tpu.matmul %max3A_15, %get3A_20, %dot_general3A {dimension_numbers = #tpu.dot_dimension_numbers<[1], [0], [0], [1], [0, 0, 1, 1], [], []>, transpose_lhs_hint = false} : vector<1000x128xf32>, vector<128x128xf32>, vector<1000x128xf32> -> vector<1000x128xf32>
    %get3A_22 = arith.constant 0 : index
    %get3A_23 = arith.constant 0 : index
    %get3A_24 = vector.load %arg6[%get3A_22, %get3A_23] : memref<1x128xf32, #tpu.memory_space<vmem>>, vector<1x128xf32>
    %add3A_25 = vector.broadcast %get3A_24 : vector<1x128xf32> to vector<1000x128xf32>
    %add3A_26 = arith.addf %dot_general3A_21, %add3A_25 : vector<1000x128xf32>
    %logistic3A = arith.negf %add3A_26 : vector<1000x128xf32>
    %logistic3A_27 = math.exp %logistic3A : vector<1000x128xf32>
    %logistic3A_28 = arith.constant 1.000000e+00 : f32
    %logistic3A_29 = vector.broadcast %logistic3A_28 : f32 to vector<1000x128xf32>
    %logistic3A_30 = arith.addf %logistic3A_29, %logistic3A_27 : vector<1000x128xf32>
    %logistic3A_31 = arith.divf %logistic3A_29, %logistic3A_30 : vector<1000x128xf32>
    %swap3A_32 = arith.constant 0 : index
    %swap3A_33 = arith.constant 0 : index
    %swap3A_34 = vector.load %arg8[%swap3A_32, %swap3A_33] : memref<1000x128xf32, #tpu.memory_space<vmem>>, vector<1000x128xf32>
    tpu.vector_store %arg8[%swap3A_32, %swap3A_33], %logistic3A_31 {strides = array<i32>} : memref<1000x128xf32, #tpu.memory_space<vmem>>, vector<1000x128xf32>,
    return
  }
  func.func @transform_0(%arg0: i32) -> (i32, i32) {
    %c0_i32 = arith.constant 0 : i32
    %c0_i32_0 = arith.constant 0 : i32
    return %arg0, %c0_i32 : i32, i32
  }
  func.func @transform_1(%arg0: i32) -> (i32, i32) {
    %c0_i32 = arith.constant 0 : i32
    %c0_i32_0 = arith.constant 0 : i32
    return %arg0, %c0_i32 : i32, i32
  }
  func.func @transform_2(%arg0: i32) -> (i32, i32) {
    %c0_i32 = arith.constant 0 : i32
    %c0_i32_0 = arith.constant 0 : i32
    return %arg0, %c0_i32 : i32, i32
  }
  func.func @transform_3(%arg0: i32) -> (i32, i32) {
    %c0_i32 = arith.constant 0 : i32
    %c0_i32_0 = arith.constant 0 : i32
    %c0_i32_1 = arith.constant 0 : i32
    return %c0_i32, %c0_i32_0 : i32, i32
  }
  func.func @transform_4(%arg0: i32) -> (i32, i32) {
    %c0_i32 = arith.constant 0 : i32
    %c0_i32_0 = arith.constant 0 : i32
    %c0_i32_1 = arith.constant 0 : i32
    return %c0_i32, %c0_i32_0 : i32, i32
  }
  func.func @transform_5(%arg0: i32) -> (i32, i32) {
    %c0_i32 = arith.constant 0 : i32
    %c0_i32_0 = arith.constant 0 : i32
    %c0_i32_1 = arith.constant 0 : i32
    return %c0_i32, %c0_i32_0 : i32, i32
  }
  func.func @transform_6(%arg0: i32) -> (i32, i32) {
    %c0_i32 = arith.constant 0 : i32
    %c0_i32_0 = arith.constant 0 : i32
    return %arg0, %c0_i32 : i32, i32
  }
  func.func @transform_7(%arg0: i32) -> (i32, i32) {
    %c0_i32 = arith.constant 0 : i32
    %c0_i32_0 = arith.constant 0 : i32
    return %arg0, %c0_i32 : i32, i32
  }
}

module attributes {stable_mosaic.version = 14 : i64} {
  func.func @_readout_body(%arg0: i32, %arg1: memref<1x1x1000xi32, #tpu.memory_space<vmem>>, %arg2: memref<1000x128xf32, #tpu.memory_space<vmem>>, %arg3: memref<1000x128xf32, #tpu.memory_space<vmem>>, %arg4: memref<3x256x128xf32, #tpu.memory_space<vmem>>) attributes {dimension_semantics = [#tpu.dimension_semantics<arbitrary>], iteration_bounds = array<i64: 10>, scalar_prefetch = 0 : i64, scratch_operands = 0 : i64, tpu.core_type = #tpu.core_type<tc>, window_params = [{transform_indices = @transform_0, window_bounds = array<i64: 1, 1, 1000>}, {transform_indices = @transform_1, window_bounds = array<i64: 1000, 128>}, {transform_indices = @transform_2, window_bounds = array<i64: 1000, 128>}, {pipeline_mode = #tpu.pipeline_mode<synchronous>, transform_indices = @transform_3, window_bounds = array<i64: 3, 256, 128>}]} {
    %eq3A = arith.constant 0 : i32
    %eq3A_0 = arith.cmpi eq, %arg0, %eq3A : i32
    %convert_element_type3A = arith.extui %eq3A_0 : i1 to i32
    %cond3A = arith.constant 0 : i32
    %cond3A_1 = arith.cmpi ne, %convert_element_type3A, %cond3A : i32
    scf.if %cond3A_1 {
      %broadcast_in_dim3A = arith.constant 0.000000e+00 : f32
      %broadcast_in_dim3A_42 = vector.broadcast %broadcast_in_dim3A : f32 to vector<3x256x128xf32>
      %swap3A_43 = arith.constant 0 : index
      %swap3A_44 = arith.constant 0 : index
      %swap3A_45 = arith.constant 0 : index
      %swap3A_46 = vector.load %arg4[%swap3A_43, %swap3A_44, %swap3A_45] : memref<3x256x128xf32, #tpu.memory_space<vmem>>, vector<3x256x128xf32>
      tpu.vector_store %arg4[%swap3A_43, %swap3A_44, %swap3A_45], %broadcast_in_dim3A_42 {strides = array<i32>} : memref<3x256x128xf32, #tpu.memory_space<vmem>>, vector<3x256x128xf32>,
    } else {
    }
    %get3A = arith.constant 0 : index
    %get3A_2 = arith.constant 0 : index
    %get3A_3 = arith.constant 0 : index
    %get3A_4 = vector.load %arg1[%get3A, %get3A_2, %get3A_3] : memref<1x1x1000xi32, #tpu.memory_space<vmem>>, vector<1x1x1000xi32>
    %get3A_5 = vector.shape_cast %get3A_4 : vector<1x1x1000xi32> to vector<1x1000xi32>
    %iota3A = tpu.iota {dimensions = array<i32: 0>} : vector<256x1000xi32>
    %eq3A_6 = vector.broadcast %get3A_5 : vector<1x1000xi32> to vector<256x1000xi32>
    %eq3A_7 = arith.cmpi eq, %iota3A, %eq3A_6 : vector<256x1000xi32>
    %convert_element_type3A_8 = arith.extui %eq3A_7 : vector<256x1000xi1> to vector<256x1000xi32>
    %convert_element_type3A_9 = arith.sitofp %convert_element_type3A_8 : vector<256x1000xi32> to vector<256x1000xf32>
    %get3A_10 = arith.constant 0 : index
    %get3A_11 = arith.constant 0 : index
    %get3A_12 = vector.load %arg3[%get3A_10, %get3A_11] : memref<1000x128xf32, #tpu.memory_space<vmem>>, vector<1000x128xf32>
    %get3A_13 = arith.constant 0 : index
    %get3A_14 = arith.constant 0 : index
    %get3A_15 = vector.load %arg2[%get3A_13, %get3A_14] : memref<1000x128xf32, #tpu.memory_space<vmem>>, vector<1000x1xf32>
    %mul3A = vector.broadcast %get3A_15 : vector<1000x1xf32> to vector<1000x128xf32>
    %mul3A_16 = arith.mulf %get3A_12, %mul3A : vector<1000x128xf32>
    %dot_general3A = arith.constant dense<0.000000e+00> : vector<256x128xf32>
    %dot_general3A_17 = tpu.matmul %convert_element_type3A_9, %mul3A_16, %dot_general3A {dimension_numbers = #tpu.dot_dimension_numbers<[1], [0], [0], [1], [0, 0, 1, 1], [], []>, transpose_lhs_hint = false} : vector<256x1000xf32>, vector<1000x128xf32>, vector<256x128xf32> -> vector<256x128xf32>
    %get3A_18 = arith.constant 0 : index
    %get3A_19 = arith.constant 1 : index
    %get3A_20 = vector.load %arg2[%get3A_18, %get3A_19] : memref<1000x128xf32, #tpu.memory_space<vmem>>, vector<1000x1xf32>
    %mul3A_21 = vector.broadcast %get3A_20 : vector<1000x1xf32> to vector<1000x128xf32>
    %mul3A_22 = arith.mulf %get3A_12, %mul3A_21 : vector<1000x128xf32>
    %dot_general3A_23 = arith.constant dense<0.000000e+00> : vector<256x128xf32>
    %dot_general3A_24 = tpu.matmul %convert_element_type3A_9, %mul3A_22, %dot_general3A_23 {dimension_numbers = #tpu.dot_dimension_numbers<[1], [0], [0], [1], [0, 0, 1, 1], [], []>, transpose_lhs_hint = false} : vector<256x1000xf32>, vector<1000x128xf32>, vector<256x128xf32> -> vector<256x128xf32>
    %get3A_25 = arith.constant 0 : index
    %get3A_26 = arith.constant 2 : index
    %get3A_27 = vector.load %arg2[%get3A_25, %get3A_26] : memref<1000x128xf32, #tpu.memory_space<vmem>>, vector<1000x1xf32>
    %mul3A_28 = vector.broadcast %get3A_27 : vector<1000x1xf32> to vector<1000x128xf32>
    %mul3A_29 = arith.mulf %get3A_12, %mul3A_28 : vector<1000x128xf32>
    %dot_general3A_30 = arith.constant dense<0.000000e+00> : vector<256x128xf32>
    %dot_general3A_31 = tpu.matmul %convert_element_type3A_9, %mul3A_29, %dot_general3A_30 {dimension_numbers = #tpu.dot_dimension_numbers<[1], [0], [0], [1], [0, 0, 1, 1], [], []>, transpose_lhs_hint = false} : vector<256x1000xf32>, vector<1000x128xf32>, vector<256x128xf32> -> vector<256x128xf32>
    %get3A_32 = arith.constant 0 : index
    %get3A_33 = arith.constant 0 : index
    %get3A_34 = arith.constant 0 : index
    %get3A_35 = vector.load %arg4[%get3A_32, %get3A_33, %get3A_34] : memref<3x256x128xf32, #tpu.memory_space<vmem>>, vector<3x256x128xf32>
    %stack3A = vector.shape_cast %dot_general3A_17 : vector<256x128xf32> to vector<1x256x128xf32>
    %stack3A_36 = vector.shape_cast %dot_general3A_24 : vector<256x128xf32> to vector<1x256x128xf32>
    %stack3A_37 = vector.shape_cast %dot_general3A_31 : vector<256x128xf32> to vector<1x256x128xf32>
    %stack3A_38 = tpu.concatenate %stack3A, %stack3A_36, %stack3A_37 in 0 : vector<1x256x128xf32>, vector<1x256x128xf32>, vector<1x256x128xf32> -> vector<3x256x128xf32>
    %add3A = arith.addf %get3A_35, %stack3A_38 : vector<3x256x128xf32>
    %swap3A = arith.constant 0 : index
    %swap3A_39 = arith.constant 0 : index
    %swap3A_40 = arith.constant 0 : index
    %swap3A_41 = vector.load %arg4[%swap3A, %swap3A_39, %swap3A_40] : memref<3x256x128xf32, #tpu.memory_space<vmem>>, vector<3x256x128xf32>
    tpu.vector_store %arg4[%swap3A, %swap3A_39, %swap3A_40], %add3A {strides = array<i32>} : memref<3x256x128xf32, #tpu.memory_space<vmem>>, vector<3x256x128xf32>,
    return
  }
  func.func @transform_0(%arg0: i32) -> (i32, i32, i32) {
    %c0_i32 = arith.constant 0 : i32
    %c0_i32_0 = arith.constant 0 : i32
    %c0_i32_1 = arith.constant 0 : i32
    return %arg0, %c0_i32, %c0_i32_0 : i32, i32, i32
  }
  func.func @transform_1(%arg0: i32) -> (i32, i32) {
    %c0_i32 = arith.constant 0 : i32
    %c0_i32_0 = arith.constant 0 : i32
    return %arg0, %c0_i32 : i32, i32
  }
  func.func @transform_2(%arg0: i32) -> (i32, i32) {
    %c0_i32 = arith.constant 0 : i32
    %c0_i32_0 = arith.constant 0 : i32
    return %arg0, %c0_i32 : i32, i32
  }
  func.func @transform_3(%arg0: i32) -> (i32, i32, i32) {
    %c0_i32 = arith.constant 0 : i32
    %c0_i32_0 = arith.constant 0 : i32
    %c0_i32_1 = arith.constant 0 : i32
    %c0_i32_2 = arith.constant 0 : i32
    return %c0_i32, %c0_i32_0, %c0_i32_1 : i32, i32, i32
  }
}

module attributes {stable_mosaic.version = 14 : i64} {
  func.func @_ffn_body(%arg0: memref<3x256x128xf32, #tpu.memory_space<vmem>>, %arg1: memref<3x128x128xf32, #tpu.memory_space<vmem>>, %arg2: memref<3x128xf32, #tpu.memory_space<vmem>>, %arg3: memref<3x128xf32, #tpu.memory_space<vmem>>, %arg4: memref<3x128xf32, #tpu.memory_space<vmem>>, %arg5: memref<3x128x128xf32, #tpu.memory_space<vmem>>, %arg6: memref<3x128xf32, #tpu.memory_space<vmem>>, %arg7: memref<3x128xf32, #tpu.memory_space<vmem>>, %arg8: memref<3x128xf32, #tpu.memory_space<vmem>>, %arg9: memref<3x128x128xf32, #tpu.memory_space<vmem>>, %arg10: memref<3x128xf32, #tpu.memory_space<vmem>>, %arg11: memref<3x128xf32, #tpu.memory_space<vmem>>, %arg12: memref<3x128xf32, #tpu.memory_space<vmem>>, %arg13: memref<3x128x128xf32, #tpu.memory_space<vmem>>, %arg14: memref<3x128xf32, #tpu.memory_space<vmem>>, %arg15: memref<3x128x128xf32, #tpu.memory_space<vmem>>, %arg16: memref<1x128xf32, #tpu.memory_space<vmem>>, %arg17: memref<256x128xf32, #tpu.memory_space<vmem>>) attributes {dimension_semantics = [], scalar_prefetch = 0 : i64, scratch_operands = 0 : i64, tpu.core_type = #tpu.core_type<tc>} {
    %broadcast_in_dim3A = arith.constant 0.000000e+00 : f32
    %broadcast_in_dim3A_0 = vector.broadcast %broadcast_in_dim3A : f32 to vector<256x128xf32>
    %get3A = arith.constant 0 : index
    %get3A_1 = arith.constant 0 : index
    %get3A_2 = arith.constant 0 : index
    %get3A_3 = vector.load %arg0[%get3A, %get3A_1, %get3A_2] : memref<3x256x128xf32, #tpu.memory_space<vmem>>, vector<1x256x128xf32>
    %get3A_4 = vector.shape_cast %get3A_3 : vector<1x256x128xf32> to vector<256x128xf32>
    %get3A_5 = arith.constant 0 : index
    %get3A_6 = arith.constant 0 : index
    %get3A_7 = arith.constant 0 : index
    %get3A_8 = vector.load %arg1[%get3A_5, %get3A_6, %get3A_7] : memref<3x128x128xf32, #tpu.memory_space<vmem>>, vector<1x128x128xf32>
    %get3A_9 = vector.shape_cast %get3A_8 : vector<1x128x128xf32> to vector<128x128xf32>
    %dot_general3A = arith.constant dense<0.000000e+00> : vector<256x128xf32>
    %dot_general3A_10 = tpu.matmul %get3A_4, %get3A_9, %dot_general3A {dimension_numbers = #tpu.dot_dimension_numbers<[1], [0], [0], [1], [0, 0, 1, 1], [], []>, transpose_lhs_hint = false} : vector<256x128xf32>, vector<128x128xf32>, vector<256x128xf32> -> vector<256x128xf32>
    %get3A_11 = arith.constant 0 : index
    %get3A_12 = arith.constant 0 : index
    %get3A_13 = vector.load %arg2[%get3A_11, %get3A_12] : memref<3x128xf32, #tpu.memory_space<vmem>>, vector<1x128xf32>
    %add3A = vector.broadcast %get3A_13 : vector<1x128xf32> to vector<256x128xf32>
    %add3A_14 = arith.addf %dot_general3A_10, %add3A : vector<256x128xf32>
    %max3A = arith.constant 0.000000e+00 : f32
    %max3A_15 = vector.broadcast %max3A : f32 to vector<256x128xf32>
    %max3A_16 = arith.maximumf %add3A_14, %max3A_15 : vector<256x128xf32>
    %get3A_17 = arith.constant 0 : index
    %get3A_18 = arith.constant 0 : index
    %get3A_19 = vector.load %arg3[%get3A_17, %get3A_18] : memref<3x128xf32, #tpu.memory_space<vmem>>, vector<1x128xf32>
    %mul3A = vector.broadcast %get3A_19 : vector<1x128xf32> to vector<256x128xf32>
    %mul3A_20 = arith.mulf %max3A_16, %mul3A : vector<256x128xf32>
    %get3A_21 = arith.constant 0 : index
    %get3A_22 = arith.constant 0 : index
    %get3A_23 = vector.load %arg4[%get3A_21, %get3A_22] : memref<3x128xf32, #tpu.memory_space<vmem>>, vector<1x128xf32>
    %add3A_24 = vector.broadcast %get3A_23 : vector<1x128xf32> to vector<256x128xf32>
    %add3A_25 = arith.addf %mul3A_20, %add3A_24 : vector<256x128xf32>
    %get3A_26 = arith.constant 0 : index
    %get3A_27 = arith.constant 0 : index
    %get3A_28 = arith.constant 0 : index
    %get3A_29 = vector.load %arg5[%get3A_26, %get3A_27, %get3A_28] : memref<3x128x128xf32, #tpu.memory_space<vmem>>, vector<1x128x128xf32>
    %get3A_30 = vector.shape_cast %get3A_29 : vector<1x128x128xf32> to vector<128x128xf32>
    %dot_general3A_31 = arith.constant dense<0.000000e+00> : vector<256x128xf32>
    %dot_general3A_32 = tpu.matmul %add3A_25, %get3A_30, %dot_general3A_31 {dimension_numbers = #tpu.dot_dimension_numbers<[1], [0], [0], [1], [0, 0, 1, 1], [], []>, transpose_lhs_hint = false} : vector<256x128xf32>, vector<128x128xf32>, vector<256x128xf32> -> vector<256x128xf32>
    %get3A_33 = arith.constant 0 : index
    %get3A_34 = arith.constant 0 : index
    %get3A_35 = vector.load %arg6[%get3A_33, %get3A_34] : memref<3x128xf32, #tpu.memory_space<vmem>>, vector<1x128xf32>
    %add3A_36 = vector.broadcast %get3A_35 : vector<1x128xf32> to vector<256x128xf32>
    %add3A_37 = arith.addf %dot_general3A_32, %add3A_36 : vector<256x128xf32>
    %max3A_38 = arith.constant 0.000000e+00 : f32
    %max3A_39 = vector.broadcast %max3A_38 : f32 to vector<256x128xf32>
    %max3A_40 = arith.maximumf %add3A_37, %max3A_39 : vector<256x128xf32>
    %get3A_41 = arith.constant 0 : index
    %get3A_42 = arith.constant 0 : index
    %get3A_43 = vector.load %arg7[%get3A_41, %get3A_42] : memref<3x128xf32, #tpu.memory_space<vmem>>, vector<1x128xf32>
    %mul3A_44 = vector.broadcast %get3A_43 : vector<1x128xf32> to vector<256x128xf32>
    %mul3A_45 = arith.mulf %max3A_40, %mul3A_44 : vector<256x128xf32>
    %get3A_46 = arith.constant 0 : index
    %get3A_47 = arith.constant 0 : index
    %get3A_48 = vector.load %arg8[%get3A_46, %get3A_47] : memref<3x128xf32, #tpu.memory_space<vmem>>, vector<1x128xf32>
    %add3A_49 = vector.broadcast %get3A_48 : vector<1x128xf32> to vector<256x128xf32>
    %add3A_50 = arith.addf %mul3A_45, %add3A_49 : vector<256x128xf32>
    %get3A_51 = arith.constant 0 : index
    %get3A_52 = arith.constant 0 : index
    %get3A_53 = arith.constant 0 : index
    %get3A_54 = vector.load %arg9[%get3A_51, %get3A_52, %get3A_53] : memref<3x128x128xf32, #tpu.memory_space<vmem>>, vector<1x128x128xf32>
    %get3A_55 = vector.shape_cast %get3A_54 : vector<1x128x128xf32> to vector<128x128xf32>
    %dot_general3A_56 = arith.constant dense<0.000000e+00> : vector<256x128xf32>
    %dot_general3A_57 = tpu.matmul %add3A_50, %get3A_55, %dot_general3A_56 {dimension_numbers = #tpu.dot_dimension_numbers<[1], [0], [0], [1], [0, 0, 1, 1], [], []>, transpose_lhs_hint = false} : vector<256x128xf32>, vector<128x128xf32>, vector<256x128xf32> -> vector<256x128xf32>
    %get3A_58 = arith.constant 0 : index
    %get3A_59 = arith.constant 0 : index
    %get3A_60 = vector.load %arg10[%get3A_58, %get3A_59] : memref<3x128xf32, #tpu.memory_space<vmem>>, vector<1x128xf32>
    %add3A_61 = vector.broadcast %get3A_60 : vector<1x128xf32> to vector<256x128xf32>
    %add3A_62 = arith.addf %dot_general3A_57, %add3A_61 : vector<256x128xf32>
    %max3A_63 = arith.constant 0.000000e+00 : f32
    %max3A_64 = vector.broadcast %max3A_63 : f32 to vector<256x128xf32>
    %max3A_65 = arith.maximumf %add3A_62, %max3A_64 : vector<256x128xf32>
    %get3A_66 = arith.constant 0 : index
    %get3A_67 = arith.constant 0 : index
    %get3A_68 = vector.load %arg11[%get3A_66, %get3A_67] : memref<3x128xf32, #tpu.memory_space<vmem>>, vector<1x128xf32>
    %mul3A_69 = vector.broadcast %get3A_68 : vector<1x128xf32> to vector<256x128xf32>
    %mul3A_70 = arith.mulf %max3A_65, %mul3A_69 : vector<256x128xf32>
    %get3A_71 = arith.constant 0 : index
    %get3A_72 = arith.constant 0 : index
    %get3A_73 = vector.load %arg12[%get3A_71, %get3A_72] : memref<3x128xf32, #tpu.memory_space<vmem>>, vector<1x128xf32>
    %add3A_74 = vector.broadcast %get3A_73 : vector<1x128xf32> to vector<256x128xf32>
    %add3A_75 = arith.addf %mul3A_70, %add3A_74 : vector<256x128xf32>
    %get3A_76 = arith.constant 0 : index
    %get3A_77 = arith.constant 0 : index
    %get3A_78 = arith.constant 0 : index
    %get3A_79 = vector.load %arg13[%get3A_76, %get3A_77, %get3A_78] : memref<3x128x128xf32, #tpu.memory_space<vmem>>, vector<1x128x128xf32>
    %get3A_80 = vector.shape_cast %get3A_79 : vector<1x128x128xf32> to vector<128x128xf32>
    %dot_general3A_81 = arith.constant dense<0.000000e+00> : vector<256x128xf32>
    %dot_general3A_82 = tpu.matmul %add3A_75, %get3A_80, %dot_general3A_81 {dimension_numbers = #tpu.dot_dimension_numbers<[1], [0], [0], [1], [0, 0, 1, 1], [], []>, transpose_lhs_hint = false} : vector<256x128xf32>, vector<128x128xf32>, vector<256x128xf32> -> vector<256x128xf32>
    %get3A_83 = arith.constant 0 : index
    %get3A_84 = arith.constant 0 : index
    %get3A_85 = vector.load %arg14[%get3A_83, %get3A_84] : memref<3x128xf32, #tpu.memory_space<vmem>>, vector<1x128xf32>
    %add3A_86 = vector.broadcast %get3A_85 : vector<1x128xf32> to vector<256x128xf32>
    %add3A_87 = arith.addf %dot_general3A_82, %add3A_86 : vector<256x128xf32>
    %max3A_88 = arith.constant 0.000000e+00 : f32
    %max3A_89 = vector.broadcast %max3A_88 : f32 to vector<256x128xf32>
    %max3A_90 = arith.maximumf %add3A_87, %max3A_89 : vector<256x128xf32>
    %get3A_91 = arith.constant 0 : index
    %get3A_92 = arith.constant 0 : index
    %get3A_93 = arith.constant 0 : index
    %get3A_94 = vector.load %arg15[%get3A_91, %get3A_92, %get3A_93] : memref<3x128x128xf32, #tpu.memory_space<vmem>>, vector<1x128x128xf32>
    %get3A_95 = vector.shape_cast %get3A_94 : vector<1x128x128xf32> to vector<128x128xf32>
    %dot_general3A_96 = arith.constant dense<0.000000e+00> : vector<256x128xf32>
    %dot_general3A_97 = tpu.matmul %max3A_90, %get3A_95, %dot_general3A_96 {dimension_numbers = #tpu.dot_dimension_numbers<[1], [0], [0], [1], [0, 0, 1, 1], [], []>, transpose_lhs_hint = false} : vector<256x128xf32>, vector<128x128xf32>, vector<256x128xf32> -> vector<256x128xf32>
    %add3A_98 = arith.addf %broadcast_in_dim3A_0, %dot_general3A_97 : vector<256x128xf32>
    %get3A_99 = arith.constant 1 : index
    %get3A_100 = arith.constant 0 : index
    %get3A_101 = arith.constant 0 : index
    %get3A_102 = vector.load %arg0[%get3A_99, %get3A_100, %get3A_101] : memref<3x256x128xf32, #tpu.memory_space<vmem>>, vector<1x256x128xf32>
    %get3A_103 = vector.shape_cast %get3A_102 : vector<1x256x128xf32> to vector<256x128xf32>
    %get3A_104 = arith.constant 1 : index
    %get3A_105 = arith.constant 0 : index
    %get3A_106 = arith.constant 0 : index
    %get3A_107 = vector.load %arg1[%get3A_104, %get3A_105, %get3A_106] : memref<3x128x128xf32, #tpu.memory_space<vmem>>, vector<1x128x128xf32>
    %get3A_108 = vector.shape_cast %get3A_107 : vector<1x128x128xf32> to vector<128x128xf32>
    %dot_general3A_109 = arith.constant dense<0.000000e+00> : vector<256x128xf32>
    %dot_general3A_110 = tpu.matmul %get3A_103, %get3A_108, %dot_general3A_109 {dimension_numbers = #tpu.dot_dimension_numbers<[1], [0], [0], [1], [0, 0, 1, 1], [], []>, transpose_lhs_hint = false} : vector<256x128xf32>, vector<128x128xf32>, vector<256x128xf32> -> vector<256x128xf32>
    %get3A_111 = arith.constant 1 : index
    %get3A_112 = arith.constant 0 : index
    %get3A_113 = vector.load %arg2[%get3A_111, %get3A_112] : memref<3x128xf32, #tpu.memory_space<vmem>>, vector<1x128xf32>
    %add3A_114 = vector.broadcast %get3A_113 : vector<1x128xf32> to vector<256x128xf32>
    %add3A_115 = arith.addf %dot_general3A_110, %add3A_114 : vector<256x128xf32>
    %max3A_116 = arith.constant 0.000000e+00 : f32
    %max3A_117 = vector.broadcast %max3A_116 : f32 to vector<256x128xf32>
    %max3A_118 = arith.maximumf %add3A_115, %max3A_117 : vector<256x128xf32>
    %get3A_119 = arith.constant 1 : index
    %get3A_120 = arith.constant 0 : index
    %get3A_121 = vector.load %arg3[%get3A_119, %get3A_120] : memref<3x128xf32, #tpu.memory_space<vmem>>, vector<1x128xf32>
    %mul3A_122 = vector.broadcast %get3A_121 : vector<1x128xf32> to vector<256x128xf32>
    %mul3A_123 = arith.mulf %max3A_118, %mul3A_122 : vector<256x128xf32>
    %get3A_124 = arith.constant 1 : index
    %get3A_125 = arith.constant 0 : index
    %get3A_126 = vector.load %arg4[%get3A_124, %get3A_125] : memref<3x128xf32, #tpu.memory_space<vmem>>, vector<1x128xf32>
    %add3A_127 = vector.broadcast %get3A_126 : vector<1x128xf32> to vector<256x128xf32>
    %add3A_128 = arith.addf %mul3A_123, %add3A_127 : vector<256x128xf32>
    %get3A_129 = arith.constant 1 : index
    %get3A_130 = arith.constant 0 : index
    %get3A_131 = arith.constant 0 : index
    %get3A_132 = vector.load %arg5[%get3A_129, %get3A_130, %get3A_131] : memref<3x128x128xf32, #tpu.memory_space<vmem>>, vector<1x128x128xf32>
    %get3A_133 = vector.shape_cast %get3A_132 : vector<1x128x128xf32> to vector<128x128xf32>
    %dot_general3A_134 = arith.constant dense<0.000000e+00> : vector<256x128xf32>
    %dot_general3A_135 = tpu.matmul %add3A_128, %get3A_133, %dot_general3A_134 {dimension_numbers = #tpu.dot_dimension_numbers<[1], [0], [0], [1], [0, 0, 1, 1], [], []>, transpose_lhs_hint = false} : vector<256x128xf32>, vector<128x128xf32>, vector<256x128xf32> -> vector<256x128xf32>
    %get3A_136 = arith.constant 1 : index
    %get3A_137 = arith.constant 0 : index
    %get3A_138 = vector.load %arg6[%get3A_136, %get3A_137] : memref<3x128xf32, #tpu.memory_space<vmem>>, vector<1x128xf32>
    %add3A_139 = vector.broadcast %get3A_138 : vector<1x128xf32> to vector<256x128xf32>
    %add3A_140 = arith.addf %dot_general3A_135, %add3A_139 : vector<256x128xf32>
    %max3A_141 = arith.constant 0.000000e+00 : f32
    %max3A_142 = vector.broadcast %max3A_141 : f32 to vector<256x128xf32>
    %max3A_143 = arith.maximumf %add3A_140, %max3A_142 : vector<256x128xf32>
    %get3A_144 = arith.constant 1 : index
    %get3A_145 = arith.constant 0 : index
    %get3A_146 = vector.load %arg7[%get3A_144, %get3A_145] : memref<3x128xf32, #tpu.memory_space<vmem>>, vector<1x128xf32>
    %mul3A_147 = vector.broadcast %get3A_146 : vector<1x128xf32> to vector<256x128xf32>
    %mul3A_148 = arith.mulf %max3A_143, %mul3A_147 : vector<256x128xf32>
    %get3A_149 = arith.constant 1 : index
    %get3A_150 = arith.constant 0 : index
    %get3A_151 = vector.load %arg8[%get3A_149, %get3A_150] : memref<3x128xf32, #tpu.memory_space<vmem>>, vector<1x128xf32>
    %add3A_152 = vector.broadcast %get3A_151 : vector<1x128xf32> to vector<256x128xf32>
    %add3A_153 = arith.addf %mul3A_148, %add3A_152 : vector<256x128xf32>
    %get3A_154 = arith.constant 1 : index
    %get3A_155 = arith.constant 0 : index
    %get3A_156 = arith.constant 0 : index
    %get3A_157 = vector.load %arg9[%get3A_154, %get3A_155, %get3A_156] : memref<3x128x128xf32, #tpu.memory_space<vmem>>, vector<1x128x128xf32>
    %get3A_158 = vector.shape_cast %get3A_157 : vector<1x128x128xf32> to vector<128x128xf32>
    %dot_general3A_159 = arith.constant dense<0.000000e+00> : vector<256x128xf32>
    %dot_general3A_160 = tpu.matmul %add3A_153, %get3A_158, %dot_general3A_159 {dimension_numbers = #tpu.dot_dimension_numbers<[1], [0], [0], [1], [0, 0, 1, 1], [], []>, transpose_lhs_hint = false} : vector<256x128xf32>, vector<128x128xf32>, vector<256x128xf32> -> vector<256x128xf32>
    %get3A_161 = arith.constant 1 : index
    %get3A_162 = arith.constant 0 : index
    %get3A_163 = vector.load %arg10[%get3A_161, %get3A_162] : memref<3x128xf32, #tpu.memory_space<vmem>>, vector<1x128xf32>
    %add3A_164 = vector.broadcast %get3A_163 : vector<1x128xf32> to vector<256x128xf32>
    %add3A_165 = arith.addf %dot_general3A_160, %add3A_164 : vector<256x128xf32>
    %max3A_166 = arith.constant 0.000000e+00 : f32
    %max3A_167 = vector.broadcast %max3A_166 : f32 to vector<256x128xf32>
    %max3A_168 = arith.maximumf %add3A_165, %max3A_167 : vector<256x128xf32>
    %get3A_169 = arith.constant 1 : index
    %get3A_170 = arith.constant 0 : index
    %get3A_171 = vector.load %arg11[%get3A_169, %get3A_170] : memref<3x128xf32, #tpu.memory_space<vmem>>, vector<1x128xf32>
    %mul3A_172 = vector.broadcast %get3A_171 : vector<1x128xf32> to vector<256x128xf32>
    %mul3A_173 = arith.mulf %max3A_168, %mul3A_172 : vector<256x128xf32>
    %get3A_174 = arith.constant 1 : index
    %get3A_175 = arith.constant 0 : index
    %get3A_176 = vector.load %arg12[%get3A_174, %get3A_175] : memref<3x128xf32, #tpu.memory_space<vmem>>, vector<1x128xf32>
    %add3A_177 = vector.broadcast %get3A_176 : vector<1x128xf32> to vector<256x128xf32>
    %add3A_178 = arith.addf %mul3A_173, %add3A_177 : vector<256x128xf32>
    %get3A_179 = arith.constant 1 : index
    %get3A_180 = arith.constant 0 : index
    %get3A_181 = arith.constant 0 : index
    %get3A_182 = vector.load %arg13[%get3A_179, %get3A_180, %get3A_181] : memref<3x128x128xf32, #tpu.memory_space<vmem>>, vector<1x128x128xf32>
    %get3A_183 = vector.shape_cast %get3A_182 : vector<1x128x128xf32> to vector<128x128xf32>
    %dot_general3A_184 = arith.constant dense<0.000000e+00> : vector<256x128xf32>
    %dot_general3A_185 = tpu.matmul %add3A_178, %get3A_183, %dot_general3A_184 {dimension_numbers = #tpu.dot_dimension_numbers<[1], [0], [0], [1], [0, 0, 1, 1], [], []>, transpose_lhs_hint = false} : vector<256x128xf32>, vector<128x128xf32>, vector<256x128xf32> -> vector<256x128xf32>
    %get3A_186 = arith.constant 1 : index
    %get3A_187 = arith.constant 0 : index
    %get3A_188 = vector.load %arg14[%get3A_186, %get3A_187] : memref<3x128xf32, #tpu.memory_space<vmem>>, vector<1x128xf32>
    %add3A_189 = vector.broadcast %get3A_188 : vector<1x128xf32> to vector<256x128xf32>
    %add3A_190 = arith.addf %dot_general3A_185, %add3A_189 : vector<256x128xf32>
    %max3A_191 = arith.constant 0.000000e+00 : f32
    %max3A_192 = vector.broadcast %max3A_191 : f32 to vector<256x128xf32>
    %max3A_193 = arith.maximumf %add3A_190, %max3A_192 : vector<256x128xf32>
    %get3A_194 = arith.constant 1 : index
    %get3A_195 = arith.constant 0 : index
    %get3A_196 = arith.constant 0 : index
    %get3A_197 = vector.load %arg15[%get3A_194, %get3A_195, %get3A_196] : memref<3x128x128xf32, #tpu.memory_space<vmem>>, vector<1x128x128xf32>
    %get3A_198 = vector.shape_cast %get3A_197 : vector<1x128x128xf32> to vector<128x128xf32>
    %dot_general3A_199 = arith.constant dense<0.000000e+00> : vector<256x128xf32>
    %dot_general3A_200 = tpu.matmul %max3A_193, %get3A_198, %dot_general3A_199 {dimension_numbers = #tpu.dot_dimension_numbers<[1], [0], [0], [1], [0, 0, 1, 1], [], []>, transpose_lhs_hint = false} : vector<256x128xf32>, vector<128x128xf32>, vector<256x128xf32> -> vector<256x128xf32>
    %add3A_201 = arith.addf %add3A_98, %dot_general3A_200 : vector<256x128xf32>
    %get3A_202 = arith.constant 2 : index
    %get3A_203 = arith.constant 0 : index
    %get3A_204 = arith.constant 0 : index
    %get3A_205 = vector.load %arg0[%get3A_202, %get3A_203, %get3A_204] : memref<3x256x128xf32, #tpu.memory_space<vmem>>, vector<1x256x128xf32>
    %get3A_206 = vector.shape_cast %get3A_205 : vector<1x256x128xf32> to vector<256x128xf32>
    %get3A_207 = arith.constant 2 : index
    %get3A_208 = arith.constant 0 : index
    %get3A_209 = arith.constant 0 : index
    %get3A_210 = vector.load %arg1[%get3A_207, %get3A_208, %get3A_209] : memref<3x128x128xf32, #tpu.memory_space<vmem>>, vector<1x128x128xf32>
    %get3A_211 = vector.shape_cast %get3A_210 : vector<1x128x128xf32> to vector<128x128xf32>
    %dot_general3A_212 = arith.constant dense<0.000000e+00> : vector<256x128xf32>
    %dot_general3A_213 = tpu.matmul %get3A_206, %get3A_211, %dot_general3A_212 {dimension_numbers = #tpu.dot_dimension_numbers<[1], [0], [0], [1], [0, 0, 1, 1], [], []>, transpose_lhs_hint = false} : vector<256x128xf32>, vector<128x128xf32>, vector<256x128xf32> -> vector<256x128xf32>
    %get3A_214 = arith.constant 2 : index
    %get3A_215 = arith.constant 0 : index
    %get3A_216 = vector.load %arg2[%get3A_214, %get3A_215] : memref<3x128xf32, #tpu.memory_space<vmem>>, vector<1x128xf32>
    %add3A_217 = vector.broadcast %get3A_216 : vector<1x128xf32> to vector<256x128xf32>
    %add3A_218 = arith.addf %dot_general3A_213, %add3A_217 : vector<256x128xf32>
    %max3A_219 = arith.constant 0.000000e+00 : f32
    %max3A_220 = vector.broadcast %max3A_219 : f32 to vector<256x128xf32>
    %max3A_221 = arith.maximumf %add3A_218, %max3A_220 : vector<256x128xf32>
    %get3A_222 = arith.constant 2 : index
    %get3A_223 = arith.constant 0 : index
    %get3A_224 = vector.load %arg3[%get3A_222, %get3A_223] : memref<3x128xf32, #tpu.memory_space<vmem>>, vector<1x128xf32>
    %mul3A_225 = vector.broadcast %get3A_224 : vector<1x128xf32> to vector<256x128xf32>
    %mul3A_226 = arith.mulf %max3A_221, %mul3A_225 : vector<256x128xf32>
    %get3A_227 = arith.constant 2 : index
    %get3A_228 = arith.constant 0 : index
    %get3A_229 = vector.load %arg4[%get3A_227, %get3A_228] : memref<3x128xf32, #tpu.memory_space<vmem>>, vector<1x128xf32>
    %add3A_230 = vector.broadcast %get3A_229 : vector<1x128xf32> to vector<256x128xf32>
    %add3A_231 = arith.addf %mul3A_226, %add3A_230 : vector<256x128xf32>
    %get3A_232 = arith.constant 2 : index
    %get3A_233 = arith.constant 0 : index
    %get3A_234 = arith.constant 0 : index
    %get3A_235 = vector.load %arg5[%get3A_232, %get3A_233, %get3A_234] : memref<3x128x128xf32, #tpu.memory_space<vmem>>, vector<1x128x128xf32>
    %get3A_236 = vector.shape_cast %get3A_235 : vector<1x128x128xf32> to vector<128x128xf32>
    %dot_general3A_237 = arith.constant dense<0.000000e+00> : vector<256x128xf32>
    %dot_general3A_238 = tpu.matmul %add3A_231, %get3A_236, %dot_general3A_237 {dimension_numbers = #tpu.dot_dimension_numbers<[1], [0], [0], [1], [0, 0, 1, 1], [], []>, transpose_lhs_hint = false} : vector<256x128xf32>, vector<128x128xf32>, vector<256x128xf32> -> vector<256x128xf32>
    %get3A_239 = arith.constant 2 : index
    %get3A_240 = arith.constant 0 : index
    %get3A_241 = vector.load %arg6[%get3A_239, %get3A_240] : memref<3x128xf32, #tpu.memory_space<vmem>>, vector<1x128xf32>
    %add3A_242 = vector.broadcast %get3A_241 : vector<1x128xf32> to vector<256x128xf32>
    %add3A_243 = arith.addf %dot_general3A_238, %add3A_242 : vector<256x128xf32>
    %max3A_244 = arith.constant 0.000000e+00 : f32
    %max3A_245 = vector.broadcast %max3A_244 : f32 to vector<256x128xf32>
    %max3A_246 = arith.maximumf %add3A_243, %max3A_245 : vector<256x128xf32>
    %get3A_247 = arith.constant 2 : index
    %get3A_248 = arith.constant 0 : index
    %get3A_249 = vector.load %arg7[%get3A_247, %get3A_248] : memref<3x128xf32, #tpu.memory_space<vmem>>, vector<1x128xf32>
    %mul3A_250 = vector.broadcast %get3A_249 : vector<1x128xf32> to vector<256x128xf32>
    %mul3A_251 = arith.mulf %max3A_246, %mul3A_250 : vector<256x128xf32>
    %get3A_252 = arith.constant 2 : index
    %get3A_253 = arith.constant 0 : index
    %get3A_254 = vector.load %arg8[%get3A_252, %get3A_253] : memref<3x128xf32, #tpu.memory_space<vmem>>, vector<1x128xf32>
    %add3A_255 = vector.broadcast %get3A_254 : vector<1x128xf32> to vector<256x128xf32>
    %add3A_256 = arith.addf %mul3A_251, %add3A_255 : vector<256x128xf32>
    %get3A_257 = arith.constant 2 : index
    %get3A_258 = arith.constant 0 : index
    %get3A_259 = arith.constant 0 : index
    %get3A_260 = vector.load %arg9[%get3A_257, %get3A_258, %get3A_259] : memref<3x128x128xf32, #tpu.memory_space<vmem>>, vector<1x128x128xf32>
    %get3A_261 = vector.shape_cast %get3A_260 : vector<1x128x128xf32> to vector<128x128xf32>
    %dot_general3A_262 = arith.constant dense<0.000000e+00> : vector<256x128xf32>
    %dot_general3A_263 = tpu.matmul %add3A_256, %get3A_261, %dot_general3A_262 {dimension_numbers = #tpu.dot_dimension_numbers<[1], [0], [0], [1], [0, 0, 1, 1], [], []>, transpose_lhs_hint = false} : vector<256x128xf32>, vector<128x128xf32>, vector<256x128xf32> -> vector<256x128xf32>
    %get3A_264 = arith.constant 2 : index
    %get3A_265 = arith.constant 0 : index
    %get3A_266 = vector.load %arg10[%get3A_264, %get3A_265] : memref<3x128xf32, #tpu.memory_space<vmem>>, vector<1x128xf32>
    %add3A_267 = vector.broadcast %get3A_266 : vector<1x128xf32> to vector<256x128xf32>
    %add3A_268 = arith.addf %dot_general3A_263, %add3A_267 : vector<256x128xf32>
    %max3A_269 = arith.constant 0.000000e+00 : f32
    %max3A_270 = vector.broadcast %max3A_269 : f32 to vector<256x128xf32>
    %max3A_271 = arith.maximumf %add3A_268, %max3A_270 : vector<256x128xf32>
    %get3A_272 = arith.constant 2 : index
    %get3A_273 = arith.constant 0 : index
    %get3A_274 = vector.load %arg11[%get3A_272, %get3A_273] : memref<3x128xf32, #tpu.memory_space<vmem>>, vector<1x128xf32>
    %mul3A_275 = vector.broadcast %get3A_274 : vector<1x128xf32> to vector<256x128xf32>
    %mul3A_276 = arith.mulf %max3A_271, %mul3A_275 : vector<256x128xf32>
    %get3A_277 = arith.constant 2 : index
    %get3A_278 = arith.constant 0 : index
    %get3A_279 = vector.load %arg12[%get3A_277, %get3A_278] : memref<3x128xf32, #tpu.memory_space<vmem>>, vector<1x128xf32>
    %add3A_280 = vector.broadcast %get3A_279 : vector<1x128xf32> to vector<256x128xf32>
    %add3A_281 = arith.addf %mul3A_276, %add3A_280 : vector<256x128xf32>
    %get3A_282 = arith.constant 2 : index
    %get3A_283 = arith.constant 0 : index
    %get3A_284 = arith.constant 0 : index
    %get3A_285 = vector.load %arg13[%get3A_282, %get3A_283, %get3A_284] : memref<3x128x128xf32, #tpu.memory_space<vmem>>, vector<1x128x128xf32>
    %get3A_286 = vector.shape_cast %get3A_285 : vector<1x128x128xf32> to vector<128x128xf32>
    %dot_general3A_287 = arith.constant dense<0.000000e+00> : vector<256x128xf32>
    %dot_general3A_288 = tpu.matmul %add3A_281, %get3A_286, %dot_general3A_287 {dimension_numbers = #tpu.dot_dimension_numbers<[1], [0], [0], [1], [0, 0, 1, 1], [], []>, transpose_lhs_hint = false} : vector<256x128xf32>, vector<128x128xf32>, vector<256x128xf32> -> vector<256x128xf32>
    %get3A_289 = arith.constant 2 : index
    %get3A_290 = arith.constant 0 : index
    %get3A_291 = vector.load %arg14[%get3A_289, %get3A_290] : memref<3x128xf32, #tpu.memory_space<vmem>>, vector<1x128xf32>
    %add3A_292 = vector.broadcast %get3A_291 : vector<1x128xf32> to vector<256x128xf32>
    %add3A_293 = arith.addf %dot_general3A_288, %add3A_292 : vector<256x128xf32>
    %max3A_294 = arith.constant 0.000000e+00 : f32
    %max3A_295 = vector.broadcast %max3A_294 : f32 to vector<256x128xf32>
    %max3A_296 = arith.maximumf %add3A_293, %max3A_295 : vector<256x128xf32>
    %get3A_297 = arith.constant 2 : index
    %get3A_298 = arith.constant 0 : index
    %get3A_299 = arith.constant 0 : index
    %get3A_300 = vector.load %arg15[%get3A_297, %get3A_298, %get3A_299] : memref<3x128x128xf32, #tpu.memory_space<vmem>>, vector<1x128x128xf32>
    %get3A_301 = vector.shape_cast %get3A_300 : vector<1x128x128xf32> to vector<128x128xf32>
    %dot_general3A_302 = arith.constant dense<0.000000e+00> : vector<256x128xf32>
    %dot_general3A_303 = tpu.matmul %max3A_296, %get3A_301, %dot_general3A_302 {dimension_numbers = #tpu.dot_dimension_numbers<[1], [0], [0], [1], [0, 0, 1, 1], [], []>, transpose_lhs_hint = false} : vector<256x128xf32>, vector<128x128xf32>, vector<256x128xf32> -> vector<256x128xf32>
    %add3A_304 = arith.addf %add3A_201, %dot_general3A_303 : vector<256x128xf32>
    %get3A_305 = arith.constant 0 : index
    %get3A_306 = arith.constant 0 : index
    %get3A_307 = vector.load %arg16[%get3A_305, %get3A_306] : memref<1x128xf32, #tpu.memory_space<vmem>>, vector<1x128xf32>
    %add3A_308 = vector.broadcast %get3A_307 : vector<1x128xf32> to vector<256x128xf32>
    %add3A_309 = arith.addf %add3A_304, %add3A_308 : vector<256x128xf32>
    %swap3A = arith.constant 0 : index
    %swap3A_310 = arith.constant 0 : index
    %swap3A_311 = vector.load %arg17[%swap3A, %swap3A_310] : memref<256x128xf32, #tpu.memory_space<vmem>>, vector<256x128xf32>
    tpu.vector_store %arg17[%swap3A, %swap3A_310], %add3A_309 {strides = array<i32>} : memref<256x128xf32, #tpu.memory_space<vmem>>, vector<256x128xf32>,
    return
  }
}

</mosaic_0001>

<sc_bundles>
// kernel: kernel.12.cloned.1.call-start
scs
__scs_entry_jumppad:
0x0: {  	(pc) =	sbr.rel $0x88, $3  }
0x1: {  	(tag) =	ssettag $0x0;
	lr =	simm.s32 $0x1  }
0x2: {  	[smem:$0x3F85] =	sst lr;
	_ =	strace $0xD0000000  }
0x3: {  	_ = 	snop  }
0x4: {  	_ = 	snop  }
0x5: {  	_ = 	snop  }
0x6: {  	_ = 	snop  }
0x7: {  	_ = 	snop  }
__scs_overlays_trampoline_lowered:
0x8: {  	[smem:$0x3F94] =	sst s0  }
0x9: {  	[smem:$0x3F95] =	sst s1  }
0xa: {  	[smem:$0x3F96] =	sst s2  }
0xb: {  	[smem:$0x3F97] =	sst s3  }
0xc: {  	[smem:$0x3F98] =	sst s4  }
0xd: {  	[smem:$0x3F99] =	sst s5  }
0xe: {  	[smem:$0x3F9A] =	sst s6  }
0xf: {  	[smem:$0x3F9B] =	sst s7  }
0x10: {  	[smem:$0x3F9C] =	sst s8  }
0x11: {  	[smem:$0x3F9D] =	sst s9;
	s0 =	simm.s32 @!p0 $0x0  }
0x12: {  	s1 =	sld [smem:$0x3F83];
	s0 =	simm.s32 @p0 $0x1  }
0x13: {  	[smem:$0x3F9E] =	sst s0;
	s0 =	simm.s32 @!p1 $0x0  }
0x14: {  	s2 =	sld [smem:$0x3F82];
	s0 =	simm.s32 @p1 $0x1  }
0x15: {  	[smem:$0x3F9F] =	sst s0;
	s0 =	simm.s32 @!p2 $0x0  }
0x16: {  	s3 =	sld [smem:$0x3FDB];
	s0 =	simm.s32 @p2 $0x1  }
0x17: {  	s4 =	simm.s32 $0x1BF5;
	[smem:$0x3FA1] =	sst s0  }
0x18: {  	s0 =	sld [smem:$0x3F84];
	_ =	swait.ge [sflag:s4], $0x0  }
0x19: {  	s7 =	sld [smem:$0x3F85]  }
0x1a: {  	s8 =	sadd.s32 $0xFFFFE003, lr  }
0x1b: {  	s9 =	sadd.s32 $0xFFFFFEF7, lr;
	s5 =	simm.s32 $0xFFFFFFFF;
	p2 =	slt.u32 s8, $0xFFFFF086  }
0x1c: {  	p1 =	slt.u32 s9, $0xF7A;
	s5 =	simm.s32 @!p2 $0x0  }
0x1d: {  	s5 =	simm.s32 @p1 $0x1;
	p0 =	seq.s32 s7, s2  }
0x1e: {  	s7 =	smul.u32 @!p0 $0xF7A, s2;
	p2 =	seq.s32 @!p0 s5, $0x0  }
0x1f: {  	s9 =	smul.u32 $0xF7A, s1;
	s8 =	simm.s32 @!p0 $0x1BF5;
	p2 =	por !p2, p0  }
0x20: {  	[sflag:s8] =	ssyncset.s32 @!p0 $0xFFFFF086;
	s6 =	sadd.s32 @!p0 s3, s7;
	s7 =	simm.s32 @!p0 $0x108  }
0x21: {  	s3 =	sadd.s32 s3, s9;
	s6 =	sadd.s32 @!p0 $0x88, s6;
	s7 =	simm.s32 @p2 $0x1082  }
0x22: {  	[simem:s7], [sflag:s8] =	dma.local @!p0 [hbm:s6], $0xF7A  }
0x23: {  	s9 =	sor.u32 $0xD0000000, s2;
	s6 =	simm.s32 $0x108;
	_ =	swait.ge @!p0 [sflag:s8], $0x0  }
0x24: {  	s3 =	sadd.s32 $0x88, s3;
	s6 =	simm.s32 @!p1 $0x1082;
	[sflag:s4] =	ssyncset.s32 $0xFFFFF086  }
0x25: {  	[simem:s6], [sflag:s4] =	dma.local [hbm:s3], $0xF7A  }
0x26: {  	[smem:$0x3F85] =	sst s1;
	(tag) =	ssettag s2;
	_ =	strace s9  }
0x27: {  	s1 =	sld [smem:$0x3F95]  }
0x28: {  	s2 =	sld [smem:$0x3F96]  }
0x29: {  	s4 =	sld [smem:$0x3F98]  }
0x2a: {  	p0 =	seq.s32 s5, $0x0;
	s5 =	sld [smem:$0x3F99]  }
0x2b: {  	s6 =	sld [smem:$0x3F9A]  }
0x2c: {  	s7 =	sld [smem:$0x3F9B]  }
0x2d: {  	s3 =	simm.s32 $0x108;
	s8 =	sld [smem:$0x3F9C]  }
0x2e: {  	s3 =	simm.s32 @!p0 $0x1082;
	s9 =	sld [smem:$0x3F9D]  }
0x2f: {  	lr =	sadd.s32 s0, s3;
	s0 =	sld [smem:$0x3F94]  }
0x30: {  	s3 =	sld [smem:$0x3F97]  }
0x31: {  	[smem:$0x3FA0] =	sst s10  }
0x32: {  	s10 =	sld [smem:$0x3F9E];
	_ =	sdelay $0x3  }
0x33: {  	p0 =	seq.s32 s10, $0x1;
	s10 =	sld [smem:$0x3FA0];
	_ =	sdelay $0x3  }
0x34: {  	[smem:$0x3FA0] =	sst s10  }
0x35: {  	s10 =	sld [smem:$0x3F9F];
	_ =	sdelay $0x3  }
0x36: {  	p1 =	seq.s32 s10, $0x1;
	s10 =	sld [smem:$0x3FA0];
	_ =	sdelay $0x3  }
0x37: {  	[smem:$0x3FA0] =	sst s10  }
0x38: {  	s10 =	sld [smem:$0x3FA1]  }
0x39: {  	_ = 	snop;
	(pc) =	sbr.ind lr, $3  }
0x3a: {  	_ = 	snop  }
0x3b: {  	_ = 	snop  }
0x3c: {  	p2 =	seq.s32 s10, $0x1;
	s10 =	sld [smem:$0x3FA0]  }
0x3d: {  	_ =	shalt  }
0x3e: {  	_ =	shalt  }
0x3f: {  	_ =	shalt  }
0x40: {  	_ =	shalt  }
0x41: {  	_ =	shalt  }
0x42: {  	_ =	shalt  }
0x43: {  	_ =	shalt  }
0x44: {  	_ =	shalt  }
0x45: {  	_ =	shalt  }
0x46: {  	_ =	shalt  }
0x47: {  	_ =	shalt  }
0x48: {  	_ =	shalt  }
0x49: {  	_ =	shalt  }
0x4a: {  	_ =	shalt  }
0x4b: {  	_ =	shalt  }
0x4c: {  	_ =	shalt  }
0x4d: {  	_ =	shalt  }
0x4e: {  	_ =	shalt  }
0x4f: {  	_ =	shalt  }
0x50: {  	_ =	shalt  }
0x51: {  	_ =	shalt  }
0x52: {  	_ =	shalt  }
0x53: {  	_ =	shalt  }
0x54: {  	_ =	shalt  }
0x55: {  	_ =	shalt  }
0x56: {  	_ =	shalt  }
0x57: {  	_ =	shalt  }
0x58: {  	_ =	shalt  }
0x59: {  	_ =	shalt  }
0x5a: {  	_ =	shalt  }
0x5b: {  	_ =	shalt  }
0x5c: {  	_ =	shalt  }
0x5d: {  	_ =	shalt  }
0x5e: {  	_ =	shalt  }
0x5f: {  	_ =	shalt  }
0x60: {  	_ =	shalt  }
0x61: {  	_ =	shalt  }
0x62: {  	_ =	shalt  }
0x63: {  	_ =	shalt  }
0x64: {  	_ =	shalt  }
0x65: {  	_ =	shalt  }
0x66: {  	_ =	shalt  }
0x67: {  	_ =	shalt  }
0x68: {  	_ =	shalt  }
0x69: {  	_ =	shalt  }
0x6a: {  	_ =	shalt  }
0x6b: {  	_ =	shalt  }
0x6c: {  	_ =	shalt  }
0x6d: {  	_ =	shalt  }
0x6e: {  	_ =	shalt  }
0x6f: {  	_ =	shalt  }
0x70: {  	_ =	shalt  }
0x71: {  	_ =	shalt  }
0x72: {  	_ =	shalt  }
0x73: {  	_ =	shalt  }
0x74: {  	_ =	shalt  }
0x75: {  	_ =	shalt  }
0x76: {  	_ =	shalt  }
0x77: {  	_ =	shalt  }
0x78: {  	_ =	shalt  }
0x79: {  	_ =	shalt  }
0x7a: {  	_ =	shalt  }
0x7b: {  	_ =	shalt  }
0x7c: {  	_ =	shalt  }
0x7d: {  	_ =	shalt  }
0x7e: {  	_ =	shalt  }
0x7f: {  	_ =	shalt  }
0x80: {  	_ =	shalt  }
0x81: {  	_ =	shalt  }
0x82: {  	_ =	shalt  }
0x83: {  	_ =	shalt  }
0x84: {  	_ =	shalt  }
0x85: {  	_ =	shalt  }
0x86: {  	_ =	shalt  }
0x87: {  	_ =	shalt  }
.Lfunc_end0:
.L_simem_size_0:
called_computation.1_lowered:
.L_overlay_start_0:
0x88: {  	s2 =	sld [smem:$0x3FD9]  }
0x89: {  	s3 =	sld [smem:$0x3FFE];
	_ =	sdelay $0x1  }
0x8a: {  	s1 =	srdreg.scid  }
0x8b: {  	s0 =	sand.u32 $0x1, s1  }
0x8c: {  	s16 =	sshll.u32 s0, $0xA;
	s2 =	sadd.s32 s3, s2  }
0x8d: {  	s2 =	sadd.s32 s2, s16  }
0x8e: {  	[smem:$0x3FAC] =	sst s2  }
0x8f: {  	_ = 	snop  }
0x90: {  	(tm) =	ssettm $0x1  }
0x91: {  	s17 =	sld [smem:$0x3FFB];
	_ =	sdelay $0x3  }
0x92: {  	_ =	strace s17  }
0x93: {  	s2 =	sld [smem:$0x3FFC];
	_ =	sdelay $0x3  }
0x94: {  	_ =	strace s2  }
0x95: {  	s2 =	sld [smem:$0x3FFD];
	_ =	sdelay $0x3  }
0x96: {  	_ =	strace s2  }
0x97: {  	_ =	strace $0x8FFFFFFF  }
0x98: {  	s18 =	sld [smem:$0x3FDB];
	_ =	sdelay $0x1  }
0x99: {  	s19 =	simm.s32 $_scs_section_size  }
0x9a: {  	s4 =	simm.s32 $_size__tile_overlayer_lowered;
	s5 =	simm.s32 $_tile_overlayer_lowered  }
0x9b: {  	s22 =	simm.s32 $0x1BFF;
	s21 =	sshll.u32 s5, $0x1;
	s2 =	sadd.s32 s19, s18  }
0x9c: {  	s6 =	simm.s32 $0x0;
	s20 =	sshll.u32 s4, $0x1;
	s4 =	sadd.s32 s21, s2  }
0x9d: {  	[timem:s6], [sflag:s22] =	dma.local [hbm:s4], s20  }
0x9e: {  	_ =	swait.ge [sflag:s22], s20  }
0x9f: {  	s3 =	ssub.s32 $0x0, s20;
	[sflag:s22] =	ssyncset.done $0x0  }
0xa0: {  	[sflag:s22] =	ssyncadd.s32 s3;
	_ =	sdelay $0x1  }
0xa1: {  	s23 =	simm.s32 $0x1B8B  }
0xa2: {  	_ =	swait.ge [sflag:s23], $0x1  }
0xa3: {  	[sflag:s23] =	ssyncset.done $0x0  }
0xa4: {  	s25 =	simm.s32 $0x1B8E;
	s24 =	sld [smem:$0x3FFE];
	[sflag:s23] =	ssyncadd.s32 $0xFFFFFFFF  }
0xa5: {  	s26 =	simm.s32 $execute0_lowered;
	[smem:$0x3FD2] =	sst s25  }
0xa6: {  	s4 =	sshll.u32 s26, $0x1;
	_ =	strace $0x80000049;
	[dreg:$0x1] =	wrdreg $0xFFFFFFFF  }
0xa7: {  	s28 =	simm.s32 $_size_execute0_lowered;
	s2 =	sadd.s32 s2, s4;
	[dreg:$0x0] =	wrdreg $0x0  }
0xa8: {  	s4 =	sshll.u32 s28, $0x1;
	[dreg:$0x2] =	wrdreg s2  }
0xa9: {  	[dreg:$0x3] =	wrdreg s4  }
0xaa: {  	[dreg:$0x4] =	wrdreg $0xC0  }
0xab: {  	_ =	task [dreg:s6], $0x5FFFF  }
0xac: {  	[dreg:$0x1] =	wrdreg $0xFFFFFFFF  }
0xad: {  	[dreg:$0x0] =	wrdreg $0x60  }
0xae: {  	[dreg:$0x2] =	wrdreg s24  }
0xaf: {  	[dreg:$0x3] =	wrdreg $0x84000  }
0xb0: {  	[dreg:$0x4] =	wrdreg $0x9  }
0xb1: {  	_ =	task.clear_ibuf [dreg:s6], $0x5FFFF;
	_ =	strace $0x90000049  }
0xb2: {  	s29 =	simm.s32 $0x9;
	_ =	strace $0x8000004B  }
0xb3: {  	_ =	swait.ge [sflag:s29], $0x1  }
0xb4: {  	[sflag:s29] =	ssyncadd.s32 $0xFFFFFFFF  }
0xb5: {  	_ =	strace $0x9000004B  }
0xb6: {  	_ =	sfence  }
0xb7: {  	s30 =	sld [smem:$0x0];
	_ =	sdelay $0x2  }
0xb8: {  	s31 =	sshll.u32 s1, $0xD;
	s1 =	sshrl.u32 s1, $0x2  }
0xb9: {  	s3 =	sand.u32 $0x4000, s31;
	s1 =	sadd.s32 s1, s30  }
0xba: {  	s0 =	sor.u32 s3, s0;
	s1 =	sshll.u32 s1, $0x11  }
0xbb: {  	s0 =	sor.u32 s1, s0  }
0xbc: {  	s0 =	sadd.s32 $0x8F2B, s0  }
0xbd: {  	[sflag:s0] =	ssyncadd.remote.s32 $0x1  }
0xbe: {  	_ =	sfence.sel $0xFFFF  }
0xbf: {  	[dreg:$0x0] =	wrdreg $0xFFFFFFFF;
	(pc) =	sbr.abs _section_cstart, $3  }
0xc0: {  	[dreg:$0x1] =	wrdreg $0xFFFFFFFF  }
0xc1: {  	_ =	task.clear_ibuf [dreg:s6], $0x2FFFF;
	_ =	strace $0x9FFFFFFF  }
0xc2: {  	(tm) =	ssettm $0x7FFFFFFF  }
0xc3: {  	_ =	shalt  }
tec
execute0_lowered:
.L_overlay_start_1:
0x0: {  	(tag) =	ssettag $0x1  }
0x1: {  	s0 =	rddreg [dreg:$0x0]  }
0x2: {  	s1 =	rddreg [dreg:$0x1];
	s2 =	srdreg.scid  }
0x3: {  	s3 =	simm.s32 $0x0;
	s26 =	stileid.u32;
	s14 =	simm.s32 $0x1000  }
0x4: {  	s15 =	simm.s32 $0x2000;
	s16 =	simm.s32 $0x50;
	s17 =	simm.s32 $0x3000  }
0x5: {  	s18 =	simm.s32 $0x80;
	s19 =	simm.s32 $0x5800;
	s20 =	simm.s32 $0x1  }
0x6: {  	s21 =	simm.s32 $0x2;
	s22 =	simm.s32 $0x2B00;
	s23 =	simm.s32 $0xC00  }
0x7: {  	s24 =	simm.s32 $0x2B80;
	s25 =	simm.s32 $0x2C00;
	s8 =	sand.u32 $0x1, s2  }
0x8: {  	[smem:$0x7FF] =	sst s3;
	s10 =	smul.u32 $0x13C00, s26;
	s4 =	sadd.s32 $0xF3000, s0  }
0x9: {  	s5 =	sadd.s32 $0x7A00, s0;
	s6 =	sadd.s32 $0x1B6600, s0;
	s11 =	smul.u32 $0x4F000, s26  }
0xa: {  	s7 =	sadd.s32 $0x1BA00, s0;
	s12 =	sshll.u32 s26, $0x1;
	s9 =	smul.u32 $0x13C000, s8  }
0xb: {  	_ =	strace $0x8000004A;
	s28 =	ssub.s32 $0x2, s8;
	s30 =	sor.u32 s8, s12  }
0xc: {  	s12 =	simm.s32 $0x8000;
	s29 =	sshrl.u32 s28, $0x1;
	s9 =	sadd.s32 s10, s9  }
0xd: {  	s31 =	sshrl.u32 s11, $0x2;
	s13 =	ssub.s32 s28, s29;
	s9 =	sshrl.u32 s9, $0x3  }
0xe: {  	s8 =	sadd.s32 s31, s1;
	s11 =	smax.u32 s13, $0x1;
	s0 =	sadd.s32 s9, s0  }
0xf: {  	v0 =	vimm.f32 $0.0e+00;
	s13 =	simm.s32 $0x3;
	s9 =	smul.u32 $0x5000, s30;
	s10 =	sadd.s32 $0x1CA600, s0  }
.LBB2_1:
0x10: {  	s0 =	simm.s32 $0x0;
	s26 =	simm.s32 $0x0  }
.LBB2_2:
0x11: {  	p0 =	sne.s32 s26, $0xFC0  }
.Ltmp0:
0x12: {  	_ = 	snop;
	(pc) =	sbr.rel @p0 .LBB2_2-.Ltmp0, $4  }
0x13: {  	s28 =	sand.u32 $0xE00, s26  }
0x14: {  	s29 =	sand.u32 $0x70, s0;
	s28 =	sshrl.u32 s28, $0x2  }
0x15: {  	s28 =	sor.u32 s29, s28  }
0x16: {  	s0 =	sadd.s32 $0x10, s0;
	s26 =	sadd.s32 $0x40, s26;
	[tilespmem:s28+$0x8000] =	vst v0  }
0x17: {  	s0 =	sadd.s32 $0x0, s8  }
0x18: {  	[spmem:s0] =	stream.linear.scatter [tilespmem:s12], [sflag:$0x3], $0x400, $0x38;
	[tilespmem:$0x1C000] =	vst v63  }
0x19: {  	s0 =	simm.s32 $0x1000;
	_ =	swait.ge [sflag:s13], $0x400  }
.LBB2_4:
0x1a: {  	s26 =	sshra.s32 s0, $0x2;
	[sflag:s13] =	ssyncset.done $0x0;
	p0 =	sne.s32 s0, $0x4E000  }
.Ltmp1:
0x1b: {  	s26 =	sadd.s32 s26, s8;
	[sflag:s13] =	ssyncadd.s32 $0xFFFFFC00;
	(pc) =	sbr.rel @p0 .LBB2_4-.Ltmp1, $3  }
0x1c: {  	[spmem:s26] =	stream.linear.scatter [tilespmem:s12], [sflag:$0x3], $0x400, $0x38;
	[tilespmem:$0x1C000] =	vst v63  }
0x1d: {  	s0 =	sadd.s32 $0x1000, s0;
	_ =	sdelay $0x1  }
0x1e: {  	_ =	swait.ge [sflag:s13], $0x400  }
0x1f: {  	[sflag:s13] =	ssyncset.done $0x0  }
0x20: {  	[sflag:s13] =	ssyncadd.s32 $0xFFFFFC00  }
0x21: {  	s26 =	simm.s32 $0x0;
	s28 =	simm.s32 $0x0;
	[bflag:$0x0] =	sbarrier.arrive $0xFFFF  }
.LBB2_6:
0x22: {  	s0 =	sshll.u32 s28, $0xC  }
0x23: {  	s0 =	sadd.s32 s9, s0  }
0x24: {  	s0 =	sshrl.u32 s0, $0x3  }
0x25: {  	s29 =	sadd.s32 s5, s0  }
0x26: {  	[tilespmem:s26], [sflag:$0x3] =	stream.linear.gather [hbm4b:s29+s26], $0xC80, $0x38;
	[tilespmem:$0x1C000] =	vst v63  }
0x27: {  	_ =	swait.ge [sflag:s13], $0xC80  }
0x28: {  	[sflag:s13] =	ssyncset.done $0x0  }
0x29: {  	s29 =	sadd.s32 s6, s0;
	[sflag:s13] =	ssyncadd.s32 $0xFFFFF380  }
0x2a: {  	[tilespmem:s14], [sflag:$0x3] =	stream.linear.gather [hbm4b:s29+s26], $0xC80, $0x38;
	[tilespmem:$0x1C000] =	vst v63  }
0x2b: {  	s29 =	smul.u32 $0xCD, s26  }
0x2c: {  	_ =	swait.ge [sflag:s13], $0xC80  }
0x2d: {  	[sflag:s13] =	ssyncset.done $0x0;
	s30 =	sshrl.u32 s29, $0xA  }
0x2e: {  	s0 =	sadd.s32 s7, s0;
	[sflag:s13] =	ssyncadd.s32 $0xFFFFF380;
	s30 =	smul.u32 $0x5, s30  }
0x2f: {  	[tilespmem:s15], [sflag:$0x3] =	stream.linear.gather [hbm4b:s0+s26], $0xC80, $0x38;
	[tilespmem:$0x1C000] =	vst v63  }
0x30: {  	s2 =	ssub.s32 $0x0, s30  }
0x31: {  	s29 =	sshrl.u32 s29, $0x3;
	_ =	swait.ge [sflag:s13], $0xC80;
	s0 =	sshll.u32 s2, $0x4  }
0x32: {  	s29 =	sand.u32 $0x1F80, s29;
	[sflag:s13] =	ssyncset.done $0x0;
	s0 =	sand.u32 $0xF0, s0  }
0x33: {  	s30 =	simm.s32 $0x1;
	[sflag:s13] =	ssyncadd.s32 $0xFFFFF380;
	s29 =	sor.u32 s0, s29  }
0x34: {  	s31 =	simm.s32 $0x2;
	s0 =	smul.u32 $0xCD, s30;
	v1 =	vld [tilespmem:s29+$0x0]  }
.LBB2_7:
0x35: {  	p0 =	sne.s32 s31, $0x7C  }
0x36: {  	s2 =	sshrl.u32 s0, $0xA;
	v2 =	vld [tilespmem:s29+$0x1000]  }
0x37: {  	s2 =	smul.u32 $0x5, s2;
	_ =	sdelay $0x1  }
.Ltmp2:
0x38: {  	s2 =	ssub.s32 s30, s2;
	v1 =	vmul.u32 $0x5, v1;
	s30 =	smov.u32 s31;
	(pc) =	sbr.rel @p0 .LBB2_7-.Ltmp2, $4  }
0x39: {  	s0 =	sshrl.u32 s0, $0x3;
	s2 =	sshll.u32 s2, $0x4  }
0x3a: {  	s0 =	sand.u32 $0x1F80, s0;
	s2 =	sand.u32 $0xF0, s2;
	v1 =	vadd.s32 v2, v1  }
0x3b: {  	[tilespmem:s29+$0x0] =	vst v1;
	s29 =	sor.u32 s2, s0  }
0x3c: {  	s31 =	sadd.s32 $0x1, s31;
	s0 =	smul.u32 $0xCD, s30;
	v1 =	vld [tilespmem:s29+$0x0]  }
0x3d: {  	_ = 	snop  }
0x3e: {  	v2 =	vld [tilespmem:s29+$0x1000];
	s2 =	sshrl.u32 s0, $0xA  }
0x3f: {  	s2 =	smul.u32 $0x5, s2;
	_ =	sdelay $0x1  }
0x40: {  	s2 =	ssub.s32 s30, s2;
	v1 =	vmul.u32 $0x5, v1  }
0x41: {  	s30 =	sshrl.u32 s0, $0x3;
	s2 =	sshll.u32 s2, $0x4  }
0x42: {  	s0 =	sand.u32 $0x1F80, s30;
	s2 =	sand.u32 $0xF0, s2;
	v1 =	vadd.s32 v2, v1  }
0x43: {  	s0 =	sor.u32 s2, s0;
	[tilespmem:s29+$0x0] =	vst v1  }
0x44: {  	v1 =	vld [tilespmem:s0+$0x0];
	_ =	sdelay $0x1  }
0x45: {  	v2 =	vld [tilespmem:s0+$0x1000];
	_ =	sdelay $0x2  }
0x46: {  	v1 =	vmul.u32 $0x5, v1;
	_ =	sdelay $0x1  }
0x47: {  	v1 =	vadd.s32 v2, v1  }
0x48: {  	s31 =	simm.s32 $0x0;
	[tilespmem:s0+$0x0] =	vst v1  }
0x49: {  	[tilespmem:s17], [sflag:$0x1] =	stream.indirect.gather [hbm4b:s4+s16], $0x80, s31, s16, $0xb8;
	[tilespmem:$0x1C000] =	vst v63  }
0x4a: {  	_ = 	snop  }
0x4b: {  	[tilespmem:s19], [sflag:$0x2] =	stream.indirect.gather [hbm4b:s4+s16], $0x80, s18, s16, $0xb8;
	[tilespmem:$0x1C000] =	vst v63  }
0x4c: {  	_ =	swait.ge [sflag:s20], $0x2800  }
0x4d: {  	[sflag:s20] =	ssyncset.done $0x0  }
0x4e: {  	s2 =	simm.s32 $0x2000;
	[sflag:s20] =	ssyncadd.s32 $0xFFFFD800  }
0x4f: {  	[spmem:s1] =	stream.indirect.scatter.add.f32 [tilespmem:s17], [sflag:$0x3], $0x80, s2, s16, $0xb8;
	[tilespmem:$0x1C000] =	vst v63  }
0x50: {  	_ =	swait.ge [sflag:s13], $0x2800  }
0x51: {  	[sflag:s13] =	ssyncset.done $0x0  }
0x52: {  	s30 =	simm.s32 $0x100;
	[sflag:s13] =	ssyncadd.s32 $0xFFFFD800  }
0x53: {  	[tilespmem:s17], [sflag:$0x1] =	stream.indirect.gather [hbm4b:s4+s16], $0x80, s30, s16, $0xb8;
	[tilespmem:$0x1C000] =	vst v63  }
0x54: {  	_ =	swait.ge [sflag:s21], $0x2800  }
0x55: {  	[sflag:s21] =	ssyncset.done $0x0  }
0x56: {  	s31 =	simm.s32 $0x2080;
	[sflag:s21] =	ssyncadd.s32 $0xFFFFD800  }
0x57: {  	[spmem:s1] =	stream.indirect.scatter.add.f32 [tilespmem:s19], [sflag:$0x3], $0x80, s31, s16, $0xb8;
	[tilespmem:$0x1C000] =	vst v63  }
0x58: {  	_ =	swait.ge [sflag:s13], $0x2800  }
0x59: {  	[sflag:s13] =	ssyncset.done $0x0  }
0x5a: {  	s29 =	simm.s32 $0x400;
	s0 =	simm.s32 $0x180;
	[sflag:s13] =	ssyncadd.s32 $0xFFFFD800  }
.LBB2_9:
0x5b: {  	[tilespmem:s19], [sflag:$0x2] =	stream.indirect.gather [hbm4b:s4+s16], $0x80, s0, s16, $0xb8;
	[tilespmem:$0x1C000] =	vst v63  }
0x5c: {  	s0 =	smov.u32 s29  }
0x5d: {  	p0 =	sne.s32 s29, $0x2800;
	s29 =	sadd.s32 $0x400, s29;
	_ =	swait.ge [sflag:s20], $0x2800  }
0x5e: {  	s0 =	sshra.s32 s0, $0x2;
	[sflag:s20] =	ssyncset.done $0x0  }
0x5f: {  	s2 =	sadd.s32 $0x2000, s0;
	[sflag:s20] =	ssyncadd.s32 $0xFFFFD800  }
0x60: {  	[spmem:s1] =	stream.indirect.scatter.add.f32 [tilespmem:s17], [sflag:$0x3], $0x80, s2, s16, $0xb8;
	[tilespmem:$0x1C000] =	vst v63  }
0x61: {  	_ =	swait.ge [sflag:s13], $0x2800  }
0x62: {  	[sflag:s13] =	ssyncset.done $0x0  }
0x63: {  	s2 =	sadd.s32 $0x100, s0;
	[sflag:s13] =	ssyncadd.s32 $0xFFFFD800  }
0x64: {  	[tilespmem:s17], [sflag:$0x1] =	stream.indirect.gather [hbm4b:s4+s16], $0x80, s2, s16, $0xb8;
	[tilespmem:$0x1C000] =	vst v63  }
0x65: {  	_ =	swait.ge [sflag:s21], $0x2800  }
0x66: {  	[sflag:s21] =	ssyncset.done $0x0  }
.Ltmp3:
0x67: {  	s2 =	sadd.s32 $0x2080, s0;
	[sflag:s21] =	ssyncadd.s32 $0xFFFFD800;
	(pc) =	sbr.rel @p0 .LBB2_9-.Ltmp3, $4  }
0x68: {  	[spmem:s1] =	stream.indirect.scatter.add.f32 [tilespmem:s19], [sflag:$0x3], $0x80, s2, s16, $0xb8;
	[tilespmem:$0x1C000] =	vst v63  }
0x69: {  	_ =	swait.ge [sflag:s13], $0x2800  }
0x6a: {  	[sflag:s13] =	ssyncset.done $0x0  }
0x6b: {  	s0 =	sadd.s32 $0x180, s0;
	[sflag:s13] =	ssyncadd.s32 $0xFFFFD800  }
0x6c: {  	[tilespmem:s19], [sflag:$0x2] =	stream.indirect.gather [hbm4b:s4+s16], $0x80, s0, s16, $0xb8;
	[tilespmem:$0x1C000] =	vst v63  }
0x6d: {  	_ =	swait.ge [sflag:s20], $0x2800  }
0x6e: {  	[sflag:s20] =	ssyncset.done $0x0  }
0x6f: {  	[sflag:s20] =	ssyncadd.s32 $0xFFFFD800  }
0x70: {  	[spmem:s1] =	stream.indirect.scatter.add.f32 [tilespmem:s17], [sflag:$0x3], $0x80, s22, s16, $0xb8;
	[tilespmem:$0x1C000] =	vst v63  }
0x71: {  	_ =	swait.ge [sflag:s13], $0x2800  }
0x72: {  	[sflag:s13] =	ssyncset.done $0x0  }
0x73: {  	[sflag:s13] =	ssyncadd.s32 $0xFFFFD800  }
0x74: {  	[tilespmem:s17], [sflag:$0x1] =	stream.indirect.gather [hbm4b:s4+s16], $0x80, s23, s16, $0xb8;
	[tilespmem:$0x1C000] =	vst v63  }
0x75: {  	_ =	swait.ge [sflag:s21], $0x2800  }
0x76: {  	[sflag:s21] =	ssyncset.done $0x0  }
0x77: {  	[sflag:s21] =	ssyncadd.s32 $0xFFFFD800  }
0x78: {  	[spmem:s1] =	stream.indirect.scatter.add.f32 [tilespmem:s19], [sflag:$0x3], $0x80, s24, s16, $0xb8;
	[tilespmem:$0x1C000] =	vst v63  }
0x79: {  	_ =	swait.ge [sflag:s13], $0x2800  }
0x7a: {  	[sflag:s13] =	ssyncset.done $0x0  }
0x7b: {  	[sflag:s13] =	ssyncadd.s32 $0xFFFFD800  }
0x7c: {  	s28 =	sadd.s32 $0x1, s28;
	_ =	swait.ge [sflag:s20], $0x2800  }
0x7d: {  	p0 =	sne.s32 s28, $0x5;
	[sflag:s20] =	ssyncset.done $0x0  }
.Ltmp4:
0x7e: {  	[sflag:s20] =	ssyncadd.s32 $0xFFFFD800;
	(pc) =	sbr.rel @p0 .LBB2_6-.Ltmp4, $4  }
0x7f: {  	[spmem:s1] =	stream.indirect.scatter.add.f32 [tilespmem:s17], [sflag:$0x3], $0x80, s25, s16, $0xb8;
	[tilespmem:$0x1C000] =	vst v63  }
0x80: {  	_ =	swait.ge [sflag:s13], $0x2800  }
0x81: {  	[sflag:s13] =	ssyncset.done $0x0  }
0x82: {  	[sflag:s13] =	ssyncadd.s32 $0xFFFFD800  }
0x83: {  	s0 =	stileid.u32;
	s3 =	sadd.s32 $0x1, s3  }
0x84: {  	[bflag:$0x0] =	sbarrier.arrive $0xFFFF;
	s0 =	sshll.u32 s0, $0x6;
	p0 =	sne.s32 s3, s11  }
.Ltmp5:
0x85: {  	s2 =	sshrl.u32 s8, $0x3;
	s0 =	sor.u32 $0x1C03, s0;
	(pc) =	sbr.rel @p0 .LBB2_1-.Ltmp5, $4  }
0x86: {  	[hbm:s10], [sflag:s0] =	dma.local [spmem:s2], $0x2780  }
0x87: {  	_ =	swait.ge [sflag:s13], $0x2780  }
0x88: {  	[sflag:s13] =	ssyncset.done $0x0  }
0x89: {  	[sflag:s13] =	ssyncadd.s32 $0xFFFFD880  }
0x8a: {  	_ =	sfence.sel $0x180000  }
0x8b: {  	[bflag:$0x0] =	sbarrier.arrive $0xFFFF  }
0x8c: {  	_ =	strace $0x9000004A  }
0x8d: {  	s0 =	stileid.u32;
	[bflag:$0x2] =	sbarrier.arrive $0xFFFF  }
0x8e: {  	p0 =	sne.s32 s0, $0x0;
	s0 =	rddreg [dreg:$0x2]  }
0x8f: {  	s0 =	sadd.s32 @!p0 $0x100000, s0  }
0x90: {  	[sflag:s0] =	ssyncadd.tile.s32 @!p0 $0x1;
	_ =	shalt  }
.Lfunc_end2:
_tile_overlayer_lowered:
.L_overlay_start_2:
0x91: {  	(tag) =	ssettag $0x2  }
0x92: {  	s0 =	rddreg [dreg:$0x0];
	s2 =	stileid.u32  }
0x93: {  	s1 =	rddreg [dreg:$0x1];
	p0 =	sne.s32 s2, $0x0  }
0x94: {  	s3 =	rddreg [dreg:$0x2];
	[bflag:$0x3] =	sbarrier.arrive $0xFFFF;
	s2 =	simm.s32 @!p0 $0x1C03  }
0x95: {  	[timem:s3], [sflag:s2] =	dma.local @!p0 [hbm:s0], s1  }
0x96: {  	s0 =	simm.s32 @!p0 $0x3  }
0x97: {  	_ =	swait.ge @!p0 [sflag:s0], s1  }
0x98: {  	s1 =	ssub.s32 @!p0 $0x0, s1;
	[sflag:s0] =	ssyncset.done @!p0 $0x0  }
0x99: {  	[sflag:s0] =	ssyncadd.s32 @!p0 s1  }
0x9a: {  	[bflag:$0x3] =	sbarrier.arrive $0xFFFF  }
0x9b: {  	_ =	shalt  }

// kernel: kernel.9.cloned.1.call-start
scs
__scs_entry_jumppad:
0x0: {  	(pc) =	sbr.rel $0x88, $3  }
0x1: {  	(tag) =	ssettag $0x0;
	lr =	simm.s32 $0x1  }
0x2: {  	[smem:$0x3F85] =	sst lr;
	_ =	strace $0xD0000000  }
0x3: {  	_ = 	snop  }
0x4: {  	_ = 	snop  }
0x5: {  	_ = 	snop  }
0x6: {  	_ = 	snop  }
0x7: {  	_ = 	snop  }
__scs_overlays_trampoline_lowered:
0x8: {  	[smem:$0x3F94] =	sst s0  }
0x9: {  	[smem:$0x3F95] =	sst s1  }
0xa: {  	[smem:$0x3F96] =	sst s2  }
0xb: {  	[smem:$0x3F97] =	sst s3  }
0xc: {  	[smem:$0x3F98] =	sst s4  }
0xd: {  	[smem:$0x3F99] =	sst s5  }
0xe: {  	[smem:$0x3F9A] =	sst s6  }
0xf: {  	[smem:$0x3F9B] =	sst s7  }
0x10: {  	[smem:$0x3F9C] =	sst s8  }
0x11: {  	[smem:$0x3F9D] =	sst s9;
	s0 =	simm.s32 @!p0 $0x0  }
0x12: {  	s1 =	sld [smem:$0x3F83];
	s0 =	simm.s32 @p0 $0x1  }
0x13: {  	[smem:$0x3F9E] =	sst s0;
	s0 =	simm.s32 @!p1 $0x0  }
0x14: {  	s2 =	sld [smem:$0x3F82];
	s0 =	simm.s32 @p1 $0x1  }
0x15: {  	[smem:$0x3F9F] =	sst s0;
	s0 =	simm.s32 @!p2 $0x0  }
0x16: {  	s3 =	sld [smem:$0x3FDB];
	s0 =	simm.s32 @p2 $0x1  }
0x17: {  	s4 =	simm.s32 $0x1BF5;
	[smem:$0x3FA1] =	sst s0  }
0x18: {  	s0 =	sld [smem:$0x3F84];
	_ =	swait.ge [sflag:s4], $0x0  }
0x19: {  	s7 =	sld [smem:$0x3F85]  }
0x1a: {  	s8 =	sadd.s32 $0xFFFFE003, lr  }
0x1b: {  	s9 =	sadd.s32 $0xFFFFFEF7, lr;
	s5 =	simm.s32 $0xFFFFFFFF;
	p2 =	slt.u32 s8, $0xFFFFF086  }
0x1c: {  	p1 =	slt.u32 s9, $0xF7A;
	s5 =	simm.s32 @!p2 $0x0  }
0x1d: {  	s5 =	simm.s32 @p1 $0x1;
	p0 =	seq.s32 s7, s2  }
0x1e: {  	s7 =	smul.u32 @!p0 $0xF7A, s2;
	p2 =	seq.s32 @!p0 s5, $0x0  }
0x1f: {  	s9 =	smul.u32 $0xF7A, s1;
	s8 =	simm.s32 @!p0 $0x1BF5;
	p2 =	por !p2, p0  }
0x20: {  	[sflag:s8] =	ssyncset.s32 @!p0 $0xFFFFF086;
	s6 =	sadd.s32 @!p0 s3, s7;
	s7 =	simm.s32 @!p0 $0x108  }
0x21: {  	s3 =	sadd.s32 s3, s9;
	s6 =	sadd.s32 @!p0 $0x88, s6;
	s7 =	simm.s32 @p2 $0x1082  }
0x22: {  	[simem:s7], [sflag:s8] =	dma.local @!p0 [hbm:s6], $0xF7A  }
0x23: {  	s9 =	sor.u32 $0xD0000000, s2;
	s6 =	simm.s32 $0x108;
	_ =	swait.ge @!p0 [sflag:s8], $0x0  }
0x24: {  	s3 =	sadd.s32 $0x88, s3;
	s6 =	simm.s32 @!p1 $0x1082;
	[sflag:s4] =	ssyncset.s32 $0xFFFFF086  }
0x25: {  	[simem:s6], [sflag:s4] =	dma.local [hbm:s3], $0xF7A  }
0x26: {  	[smem:$0x3F85] =	sst s1;
	(tag) =	ssettag s2;
	_ =	strace s9  }
0x27: {  	s1 =	sld [smem:$0x3F95]  }
0x28: {  	s2 =	sld [smem:$0x3F96]  }
0x29: {  	s4 =	sld [smem:$0x3F98]  }
0x2a: {  	p0 =	seq.s32 s5, $0x0;
	s5 =	sld [smem:$0x3F99]  }
0x2b: {  	s6 =	sld [smem:$0x3F9A]  }
0x2c: {  	s7 =	sld [smem:$0x3F9B]  }
0x2d: {  	s3 =	simm.s32 $0x108;
	s8 =	sld [smem:$0x3F9C]  }
0x2e: {  	s3 =	simm.s32 @!p0 $0x1082;
	s9 =	sld [smem:$0x3F9D]  }
0x2f: {  	lr =	sadd.s32 s0, s3;
	s0 =	sld [smem:$0x3F94]  }
0x30: {  	s3 =	sld [smem:$0x3F97]  }
0x31: {  	[smem:$0x3FA0] =	sst s10  }
0x32: {  	s10 =	sld [smem:$0x3F9E];
	_ =	sdelay $0x3  }
0x33: {  	p0 =	seq.s32 s10, $0x1;
	s10 =	sld [smem:$0x3FA0];
	_ =	sdelay $0x3  }
0x34: {  	[smem:$0x3FA0] =	sst s10  }
0x35: {  	s10 =	sld [smem:$0x3F9F];
	_ =	sdelay $0x3  }
0x36: {  	p1 =	seq.s32 s10, $0x1;
	s10 =	sld [smem:$0x3FA0];
	_ =	sdelay $0x3  }
0x37: {  	[smem:$0x3FA0] =	sst s10  }
0x38: {  	s10 =	sld [smem:$0x3FA1]  }
0x39: {  	_ = 	snop;
	(pc) =	sbr.ind lr, $3  }
0x3a: {  	_ = 	snop  }
0x3b: {  	_ = 	snop  }
0x3c: {  	p2 =	seq.s32 s10, $0x1;
	s10 =	sld [smem:$0x3FA0]  }
0x3d: {  	_ =	shalt  }
0x3e: {  	_ =	shalt  }
0x3f: {  	_ =	shalt  }
0x40: {  	_ =	shalt  }
0x41: {  	_ =	shalt  }
0x42: {  	_ =	shalt  }
0x43: {  	_ =	shalt  }
0x44: {  	_ =	shalt  }
0x45: {  	_ =	shalt  }
0x46: {  	_ =	shalt  }
0x47: {  	_ =	shalt  }
0x48: {  	_ =	shalt  }
0x49: {  	_ =	shalt  }
0x4a: {  	_ =	shalt  }
0x4b: {  	_ =	shalt  }
0x4c: {  	_ =	shalt  }
0x4d: {  	_ =	shalt  }
0x4e: {  	_ =	shalt  }
0x4f: {  	_ =	shalt  }
0x50: {  	_ =	shalt  }
0x51: {  	_ =	shalt  }
0x52: {  	_ =	shalt  }
0x53: {  	_ =	shalt  }
0x54: {  	_ =	shalt  }
0x55: {  	_ =	shalt  }
0x56: {  	_ =	shalt  }
0x57: {  	_ =	shalt  }
0x58: {  	_ =	shalt  }
0x59: {  	_ =	shalt  }
0x5a: {  	_ =	shalt  }
0x5b: {  	_ =	shalt  }
0x5c: {  	_ =	shalt  }
0x5d: {  	_ =	shalt  }
0x5e: {  	_ =	shalt  }
0x5f: {  	_ =	shalt  }
0x60: {  	_ =	shalt  }
0x61: {  	_ =	shalt  }
0x62: {  	_ =	shalt  }
0x63: {  	_ =	shalt  }
0x64: {  	_ =	shalt  }
0x65: {  	_ =	shalt  }
0x66: {  	_ =	shalt  }
0x67: {  	_ =	shalt  }
0x68: {  	_ =	shalt  }
0x69: {  	_ =	shalt  }
0x6a: {  	_ =	shalt  }
0x6b: {  	_ =	shalt  }
0x6c: {  	_ =	shalt  }
0x6d: {  	_ =	shalt  }
0x6e: {  	_ =	shalt  }
0x6f: {  	_ =	shalt  }
0x70: {  	_ =	shalt  }
0x71: {  	_ =	shalt  }
0x72: {  	_ =	shalt  }
0x73: {  	_ =	shalt  }
0x74: {  	_ =	shalt  }
0x75: {  	_ =	shalt  }
0x76: {  	_ =	shalt  }
0x77: {  	_ =	shalt  }
0x78: {  	_ =	shalt  }
0x79: {  	_ =	shalt  }
0x7a: {  	_ =	shalt  }
0x7b: {  	_ =	shalt  }
0x7c: {  	_ =	shalt  }
0x7d: {  	_ =	shalt  }
0x7e: {  	_ =	shalt  }
0x7f: {  	_ =	shalt  }
0x80: {  	_ =	shalt  }
0x81: {  	_ =	shalt  }
0x82: {  	_ =	shalt  }
0x83: {  	_ =	shalt  }
0x84: {  	_ =	shalt  }
0x85: {  	_ =	shalt  }
0x86: {  	_ =	shalt  }
0x87: {  	_ =	shalt  }
.Lfunc_end0:
.L_simem_size_0:
called_computation_lowered:
.L_overlay_start_0:
0x88: {  	s2 =	sld [smem:$0x3FD9]  }
0x89: {  	s3 =	sld [smem:$0x3FFE];
	_ =	sdelay $0x1  }
0x8a: {  	s1 =	srdreg.scid  }
0x8b: {  	s0 =	sand.u32 $0x1, s1  }
0x8c: {  	s16 =	sshll.u32 s0, $0xA;
	s2 =	sadd.s32 s3, s2  }
0x8d: {  	s2 =	sadd.s32 s2, s16  }
0x8e: {  	[smem:$0x3FAC] =	sst s2  }
0x8f: {  	_ = 	snop  }
0x90: {  	(tm) =	ssettm $0x1  }
0x91: {  	s17 =	sld [smem:$0x3FFB];
	_ =	sdelay $0x3  }
0x92: {  	_ =	strace s17  }
0x93: {  	s2 =	sld [smem:$0x3FFC];
	_ =	sdelay $0x3  }
0x94: {  	_ =	strace s2  }
0x95: {  	s2 =	sld [smem:$0x3FFD];
	_ =	sdelay $0x3  }
0x96: {  	_ =	strace s2  }
0x97: {  	_ =	strace $0x8FFFFFFF  }
0x98: {  	s18 =	sld [smem:$0x3FDB];
	_ =	sdelay $0x1  }
0x99: {  	s19 =	simm.s32 $_scs_section_size  }
0x9a: {  	s4 =	simm.s32 $_size__tile_overlayer_lowered;
	s5 =	simm.s32 $_tile_overlayer_lowered  }
0x9b: {  	s22 =	simm.s32 $0x1BFF;
	s21 =	sshll.u32 s5, $0x1;
	s2 =	sadd.s32 s19, s18  }
0x9c: {  	s6 =	simm.s32 $0x0;
	s20 =	sshll.u32 s4, $0x1;
	s4 =	sadd.s32 s21, s2  }
0x9d: {  	[timem:s6], [sflag:s22] =	dma.local [hbm:s4], s20  }
0x9e: {  	_ =	swait.ge [sflag:s22], s20  }
0x9f: {  	s3 =	ssub.s32 $0x0, s20;
	[sflag:s22] =	ssyncset.done $0x0  }
0xa0: {  	[sflag:s22] =	ssyncadd.s32 s3;
	_ =	sdelay $0x1  }
0xa1: {  	s23 =	simm.s32 $0x1B8B  }
0xa2: {  	_ =	swait.ge [sflag:s23], $0x1  }
0xa3: {  	[sflag:s23] =	ssyncset.done $0x0  }
0xa4: {  	s25 =	simm.s32 $0x1B8E;
	s24 =	sld [smem:$0x3FFE];
	[sflag:s23] =	ssyncadd.s32 $0xFFFFFFFF  }
0xa5: {  	s26 =	simm.s32 $execute0_lowered;
	[smem:$0x3FD2] =	sst s25  }
0xa6: {  	s4 =	sshll.u32 s26, $0x1;
	_ =	strace $0x80000046;
	[dreg:$0x1] =	wrdreg $0xFFFFFFFF  }
0xa7: {  	s28 =	simm.s32 $_size_execute0_lowered;
	s2 =	sadd.s32 s2, s4;
	[dreg:$0x0] =	wrdreg $0x0  }
0xa8: {  	s4 =	sshll.u32 s28, $0x1;
	[dreg:$0x2] =	wrdreg s2  }
0xa9: {  	[dreg:$0x3] =	wrdreg s4  }
0xaa: {  	[dreg:$0x4] =	wrdreg $0xC0  }
0xab: {  	_ =	task [dreg:s6], $0x5FFFF  }
0xac: {  	[dreg:$0x1] =	wrdreg $0xFFFFFFFF  }
0xad: {  	[dreg:$0x0] =	wrdreg $0x60  }
0xae: {  	[dreg:$0x2] =	wrdreg s24  }
0xaf: {  	[dreg:$0x3] =	wrdreg $0x84000  }
0xb0: {  	[dreg:$0x4] =	wrdreg $0x9  }
0xb1: {  	_ =	task.clear_ibuf [dreg:s6], $0x5FFFF;
	_ =	strace $0x90000046  }
0xb2: {  	s29 =	simm.s32 $0x9;
	_ =	strace $0x80000048  }
0xb3: {  	_ =	swait.ge [sflag:s29], $0x1  }
0xb4: {  	[sflag:s29] =	ssyncadd.s32 $0xFFFFFFFF  }
0xb5: {  	_ =	strace $0x90000048  }
0xb6: {  	_ =	sfence  }
0xb7: {  	s30 =	sld [smem:$0x0];
	_ =	sdelay $0x2  }
0xb8: {  	s31 =	sshll.u32 s1, $0xD;
	s1 =	sshrl.u32 s1, $0x2  }
0xb9: {  	s3 =	sand.u32 $0x4000, s31;
	s1 =	sadd.s32 s1, s30  }
0xba: {  	s0 =	sor.u32 s3, s0;
	s1 =	sshll.u32 s1, $0x11  }
0xbb: {  	s0 =	sor.u32 s1, s0  }
0xbc: {  	s0 =	sadd.s32 $0x8F2B, s0  }
0xbd: {  	[sflag:s0] =	ssyncadd.remote.s32 $0x1  }
0xbe: {  	_ =	sfence.sel $0xFFFF  }
0xbf: {  	[dreg:$0x0] =	wrdreg $0xFFFFFFFF;
	(pc) =	sbr.abs _section_cstart, $3  }
0xc0: {  	[dreg:$0x1] =	wrdreg $0xFFFFFFFF  }
0xc1: {  	_ =	task.clear_ibuf [dreg:s6], $0x2FFFF;
	_ =	strace $0x9FFFFFFF  }
0xc2: {  	(tm) =	ssettm $0x7FFFFFFF  }
0xc3: {  	_ =	shalt  }
tec
execute0_lowered:
.L_overlay_start_1:
0x0: {  	(tag) =	ssettag $0x1  }
0x1: {  	s0 =	rddreg [dreg:$0x0]  }
0x2: {  	s1 =	rddreg [dreg:$0x1];
	s2 =	srdreg.scid  }
0x3: {  	s3 =	simm.s32 $0x0;
	s26 =	stileid.u32;
	s14 =	simm.s32 $0x1000  }
0x4: {  	s15 =	simm.s32 $0x2000;
	s16 =	simm.s32 $0x50;
	s17 =	simm.s32 $0x3000  }
0x5: {  	s18 =	simm.s32 $0x80;
	s19 =	simm.s32 $0x5800;
	s20 =	simm.s32 $0x1  }
0x6: {  	s21 =	simm.s32 $0x2;
	s22 =	simm.s32 $0x2B00;
	s23 =	simm.s32 $0xC00  }
0x7: {  	s24 =	simm.s32 $0x2B80;
	s25 =	simm.s32 $0x2C00;
	s8 =	sand.u32 $0x1, s2  }
0x8: {  	[smem:$0x7FF] =	sst s3;
	s10 =	smul.u32 $0x13C00, s26;
	s4 =	sadd.s32 $0xF3000, s0  }
0x9: {  	s5 =	sadd.s32 $0x7A00, s0;
	s6 =	sadd.s32 $0x1B6600, s0;
	s11 =	smul.u32 $0x4F000, s26  }
0xa: {  	s7 =	sadd.s32 $0x1BA00, s0;
	s12 =	sshll.u32 s26, $0x1;
	s9 =	smul.u32 $0x13C000, s8  }
0xb: {  	_ =	strace $0x80000047;
	s28 =	ssub.s32 $0x2, s8;
	s30 =	sor.u32 s8, s12  }
0xc: {  	s12 =	simm.s32 $0x8000;
	s29 =	sshrl.u32 s28, $0x1;
	s9 =	sadd.s32 s10, s9  }
0xd: {  	s31 =	sshrl.u32 s11, $0x2;
	s13 =	ssub.s32 s28, s29;
	s9 =	sshrl.u32 s9, $0x3  }
0xe: {  	s8 =	sadd.s32 s31, s1;
	s11 =	smax.u32 s13, $0x1;
	s0 =	sadd.s32 s9, s0  }
0xf: {  	v0 =	vimm.f32 $0.0e+00;
	s13 =	simm.s32 $0x3;
	s9 =	smul.u32 $0x5000, s30;
	s10 =	sadd.s32 $0x1CA600, s0  }
.LBB2_1:
0x10: {  	s0 =	simm.s32 $0x0;
	s26 =	simm.s32 $0x0  }
.LBB2_2:
0x11: {  	p0 =	sne.s32 s26, $0xFC0  }
.Ltmp0:
0x12: {  	_ = 	snop;
	(pc) =	sbr.rel @p0 .LBB2_2-.Ltmp0, $4  }
0x13: {  	s28 =	sand.u32 $0xE00, s26  }
0x14: {  	s29 =	sand.u32 $0x70, s0;
	s28 =	sshrl.u32 s28, $0x2  }
0x15: {  	s28 =	sor.u32 s29, s28  }
0x16: {  	s0 =	sadd.s32 $0x10, s0;
	s26 =	sadd.s32 $0x40, s26;
	[tilespmem:s28+$0x8000] =	vst v0  }
0x17: {  	s0 =	sadd.s32 $0x0, s8  }
0x18: {  	[spmem:s0] =	stream.linear.scatter [tilespmem:s12], [sflag:$0x3], $0x400, $0x38;
	[tilespmem:$0x1C000] =	vst v63  }
0x19: {  	s0 =	simm.s32 $0x1000;
	_ =	swait.ge [sflag:s13], $0x400  }
.LBB2_4:
0x1a: {  	s26 =	sshra.s32 s0, $0x2;
	[sflag:s13] =	ssyncset.done $0x0;
	p0 =	sne.s32 s0, $0x4E000  }
.Ltmp1:
0x1b: {  	s26 =	sadd.s32 s26, s8;
	[sflag:s13] =	ssyncadd.s32 $0xFFFFFC00;
	(pc) =	sbr.rel @p0 .LBB2_4-.Ltmp1, $3  }
0x1c: {  	[spmem:s26] =	stream.linear.scatter [tilespmem:s12], [sflag:$0x3], $0x400, $0x38;
	[tilespmem:$0x1C000] =	vst v63  }
0x1d: {  	s0 =	sadd.s32 $0x1000, s0;
	_ =	sdelay $0x1  }
0x1e: {  	_ =	swait.ge [sflag:s13], $0x400  }
0x1f: {  	[sflag:s13] =	ssyncset.done $0x0  }
0x20: {  	[sflag:s13] =	ssyncadd.s32 $0xFFFFFC00  }
0x21: {  	s26 =	simm.s32 $0x0;
	s28 =	simm.s32 $0x0;
	[bflag:$0x0] =	sbarrier.arrive $0xFFFF  }
.LBB2_6:
0x22: {  	s0 =	sshll.u32 s28, $0xC  }
0x23: {  	s0 =	sadd.s32 s9, s0  }
0x24: {  	s0 =	sshrl.u32 s0, $0x3  }
0x25: {  	s29 =	sadd.s32 s5, s0  }
0x26: {  	[tilespmem:s26], [sflag:$0x3] =	stream.linear.gather [hbm4b:s29+s26], $0xC80, $0x38;
	[tilespmem:$0x1C000] =	vst v63  }
0x27: {  	_ =	swait.ge [sflag:s13], $0xC80  }
0x28: {  	[sflag:s13] =	ssyncset.done $0x0  }
0x29: {  	s29 =	sadd.s32 s6, s0;
	[sflag:s13] =	ssyncadd.s32 $0xFFFFF380  }
0x2a: {  	[tilespmem:s14], [sflag:$0x3] =	stream.linear.gather [hbm4b:s29+s26], $0xC80, $0x38;
	[tilespmem:$0x1C000] =	vst v63  }
0x2b: {  	s29 =	smul.u32 $0xCD, s26  }
0x2c: {  	_ =	swait.ge [sflag:s13], $0xC80  }
0x2d: {  	[sflag:s13] =	ssyncset.done $0x0;
	s30 =	sshrl.u32 s29, $0xA  }
0x2e: {  	s0 =	sadd.s32 s7, s0;
	[sflag:s13] =	ssyncadd.s32 $0xFFFFF380;
	s30 =	smul.u32 $0x5, s30  }
0x2f: {  	[tilespmem:s15], [sflag:$0x3] =	stream.linear.gather [hbm4b:s0+s26], $0xC80, $0x38;
	[tilespmem:$0x1C000] =	vst v63  }
0x30: {  	s2 =	ssub.s32 $0x0, s30  }
0x31: {  	s29 =	sshrl.u32 s29, $0x3;
	_ =	swait.ge [sflag:s13], $0xC80;
	s0 =	sshll.u32 s2, $0x4  }
0x32: {  	s29 =	sand.u32 $0x1F80, s29;
	[sflag:s13] =	ssyncset.done $0x0;
	s0 =	sand.u32 $0xF0, s0  }
0x33: {  	s30 =	simm.s32 $0x1;
	[sflag:s13] =	ssyncadd.s32 $0xFFFFF380;
	s29 =	sor.u32 s0, s29  }
0x34: {  	s31 =	simm.s32 $0x2;
	s0 =	smul.u32 $0xCD, s30;
	v1 =	vld [tilespmem:s29+$0x0]  }
.LBB2_7:
0x35: {  	p0 =	sne.s32 s31, $0x7C  }
0x36: {  	s2 =	sshrl.u32 s0, $0xA;
	v2 =	vld [tilespmem:s29+$0x1000]  }
0x37: {  	s2 =	smul.u32 $0x5, s2;
	_ =	sdelay $0x1  }
.Ltmp2:
0x38: {  	s2 =	ssub.s32 s30, s2;
	v1 =	vmul.u32 $0x5, v1;
	s30 =	smov.u32 s31;
	(pc) =	sbr.rel @p0 .LBB2_7-.Ltmp2, $4  }
0x39: {  	s0 =	sshrl.u32 s0, $0x3;
	s2 =	sshll.u32 s2, $0x4  }
0x3a: {  	s0 =	sand.u32 $0x1F80, s0;
	s2 =	sand.u32 $0xF0, s2;
	v1 =	vadd.s32 v2, v1  }
0x3b: {  	[tilespmem:s29+$0x0] =	vst v1;
	s29 =	sor.u32 s2, s0  }
0x3c: {  	s31 =	sadd.s32 $0x1, s31;
	s0 =	smul.u32 $0xCD, s30;
	v1 =	vld [tilespmem:s29+$0x0]  }
0x3d: {  	_ = 	snop  }
0x3e: {  	v2 =	vld [tilespmem:s29+$0x1000];
	s2 =	sshrl.u32 s0, $0xA  }
0x3f: {  	s2 =	smul.u32 $0x5, s2;
	_ =	sdelay $0x1  }
0x40: {  	s2 =	ssub.s32 s30, s2;
	v1 =	vmul.u32 $0x5, v1  }
0x41: {  	s30 =	sshrl.u32 s0, $0x3;
	s2 =	sshll.u32 s2, $0x4  }
0x42: {  	s0 =	sand.u32 $0x1F80, s30;
	s2 =	sand.u32 $0xF0, s2;
	v1 =	vadd.s32 v2, v1  }
0x43: {  	s0 =	sor.u32 s2, s0;
	[tilespmem:s29+$0x0] =	vst v1  }
0x44: {  	v1 =	vld [tilespmem:s0+$0x0];
	_ =	sdelay $0x1  }
0x45: {  	v2 =	vld [tilespmem:s0+$0x1000];
	_ =	sdelay $0x2  }
0x46: {  	v1 =	vmul.u32 $0x5, v1;
	_ =	sdelay $0x1  }
0x47: {  	v1 =	vadd.s32 v2, v1  }
0x48: {  	s31 =	simm.s32 $0x0;
	[tilespmem:s0+$0x0] =	vst v1  }
0x49: {  	[tilespmem:s17], [sflag:$0x1] =	stream.indirect.gather [hbm4b:s4+s16], $0x80, s31, s16, $0xb8;
	[tilespmem:$0x1C000] =	vst v63  }
0x4a: {  	_ = 	snop  }
0x4b: {  	[tilespmem:s19], [sflag:$0x2] =	stream.indirect.gather [hbm4b:s4+s16], $0x80, s18, s16, $0xb8;
	[tilespmem:$0x1C000] =	vst v63  }
0x4c: {  	_ =	swait.ge [sflag:s20], $0x2800  }
0x4d: {  	[sflag:s20] =	ssyncset.done $0x0  }
0x4e: {  	s2 =	simm.s32 $0x2000;
	[sflag:s20] =	ssyncadd.s32 $0xFFFFD800  }
0x4f: {  	[spmem:s1] =	stream.indirect.scatter.add.f32 [tilespmem:s17], [sflag:$0x3], $0x80, s2, s16, $0xb8;
	[tilespmem:$0x1C000] =	vst v63  }
0x50: {  	_ =	swait.ge [sflag:s13], $0x2800  }
0x51: {  	[sflag:s13] =	ssyncset.done $0x0  }
0x52: {  	s30 =	simm.s32 $0x100;
	[sflag:s13] =	ssyncadd.s32 $0xFFFFD800  }
0x53: {  	[tilespmem:s17], [sflag:$0x1] =	stream.indirect.gather [hbm4b:s4+s16], $0x80, s30, s16, $0xb8;
	[tilespmem:$0x1C000] =	vst v63  }
0x54: {  	_ =	swait.ge [sflag:s21], $0x2800  }
0x55: {  	[sflag:s21] =	ssyncset.done $0x0  }
0x56: {  	s31 =	simm.s32 $0x2080;
	[sflag:s21] =	ssyncadd.s32 $0xFFFFD800  }
0x57: {  	[spmem:s1] =	stream.indirect.scatter.add.f32 [tilespmem:s19], [sflag:$0x3], $0x80, s31, s16, $0xb8;
	[tilespmem:$0x1C000] =	vst v63  }
0x58: {  	_ =	swait.ge [sflag:s13], $0x2800  }
0x59: {  	[sflag:s13] =	ssyncset.done $0x0  }
0x5a: {  	s29 =	simm.s32 $0x400;
	s0 =	simm.s32 $0x180;
	[sflag:s13] =	ssyncadd.s32 $0xFFFFD800  }
.LBB2_9:
0x5b: {  	[tilespmem:s19], [sflag:$0x2] =	stream.indirect.gather [hbm4b:s4+s16], $0x80, s0, s16, $0xb8;
	[tilespmem:$0x1C000] =	vst v63  }
0x5c: {  	s0 =	smov.u32 s29  }
0x5d: {  	p0 =	sne.s32 s29, $0x2800;
	s29 =	sadd.s32 $0x400, s29;
	_ =	swait.ge [sflag:s20], $0x2800  }
0x5e: {  	s0 =	sshra.s32 s0, $0x2;
	[sflag:s20] =	ssyncset.done $0x0  }
0x5f: {  	s2 =	sadd.s32 $0x2000, s0;
	[sflag:s20] =	ssyncadd.s32 $0xFFFFD800  }
0x60: {  	[spmem:s1] =	stream.indirect.scatter.add.f32 [tilespmem:s17], [sflag:$0x3], $0x80, s2, s16, $0xb8;
	[tilespmem:$0x1C000] =	vst v63  }
0x61: {  	_ =	swait.ge [sflag:s13], $0x2800  }
0x62: {  	[sflag:s13] =	ssyncset.done $0x0  }
0x63: {  	s2 =	sadd.s32 $0x100, s0;
	[sflag:s13] =	ssyncadd.s32 $0xFFFFD800  }
0x64: {  	[tilespmem:s17], [sflag:$0x1] =	stream.indirect.gather [hbm4b:s4+s16], $0x80, s2, s16, $0xb8;
	[tilespmem:$0x1C000] =	vst v63  }
0x65: {  	_ =	swait.ge [sflag:s21], $0x2800  }
0x66: {  	[sflag:s21] =	ssyncset.done $0x0  }
.Ltmp3:
0x67: {  	s2 =	sadd.s32 $0x2080, s0;
	[sflag:s21] =	ssyncadd.s32 $0xFFFFD800;
	(pc) =	sbr.rel @p0 .LBB2_9-.Ltmp3, $4  }
0x68: {  	[spmem:s1] =	stream.indirect.scatter.add.f32 [tilespmem:s19], [sflag:$0x3], $0x80, s2, s16, $0xb8;
	[tilespmem:$0x1C000] =	vst v63  }
0x69: {  	_ =	swait.ge [sflag:s13], $0x2800  }
0x6a: {  	[sflag:s13] =	ssyncset.done $0x0  }
0x6b: {  	s0 =	sadd.s32 $0x180, s0;
	[sflag:s13] =	ssyncadd.s32 $0xFFFFD800  }
0x6c: {  	[tilespmem:s19], [sflag:$0x2] =	stream.indirect.gather [hbm4b:s4+s16], $0x80, s0, s16, $0xb8;
	[tilespmem:$0x1C000] =	vst v63  }
0x6d: {  	_ =	swait.ge [sflag:s20], $0x2800  }
0x6e: {  	[sflag:s20] =	ssyncset.done $0x0  }
0x6f: {  	[sflag:s20] =	ssyncadd.s32 $0xFFFFD800  }
0x70: {  	[spmem:s1] =	stream.indirect.scatter.add.f32 [tilespmem:s17], [sflag:$0x3], $0x80, s22, s16, $0xb8;
	[tilespmem:$0x1C000] =	vst v63  }
0x71: {  	_ =	swait.ge [sflag:s13], $0x2800  }
0x72: {  	[sflag:s13] =	ssyncset.done $0x0  }
0x73: {  	[sflag:s13] =	ssyncadd.s32 $0xFFFFD800  }
0x74: {  	[tilespmem:s17], [sflag:$0x1] =	stream.indirect.gather [hbm4b:s4+s16], $0x80, s23, s16, $0xb8;
	[tilespmem:$0x1C000] =	vst v63  }
0x75: {  	_ =	swait.ge [sflag:s21], $0x2800  }
0x76: {  	[sflag:s21] =	ssyncset.done $0x0  }
0x77: {  	[sflag:s21] =	ssyncadd.s32 $0xFFFFD800  }
0x78: {  	[spmem:s1] =	stream.indirect.scatter.add.f32 [tilespmem:s19], [sflag:$0x3], $0x80, s24, s16, $0xb8;
	[tilespmem:$0x1C000] =	vst v63  }
0x79: {  	_ =	swait.ge [sflag:s13], $0x2800  }
0x7a: {  	[sflag:s13] =	ssyncset.done $0x0  }
0x7b: {  	[sflag:s13] =	ssyncadd.s32 $0xFFFFD800  }
0x7c: {  	s28 =	sadd.s32 $0x1, s28;
	_ =	swait.ge [sflag:s20], $0x2800  }
0x7d: {  	p0 =	sne.s32 s28, $0x5;
	[sflag:s20] =	ssyncset.done $0x0  }
.Ltmp4:
0x7e: {  	[sflag:s20] =	ssyncadd.s32 $0xFFFFD800;
	(pc) =	sbr.rel @p0 .LBB2_6-.Ltmp4, $4  }
0x7f: {  	[spmem:s1] =	stream.indirect.scatter.add.f32 [tilespmem:s17], [sflag:$0x3], $0x80, s25, s16, $0xb8;
	[tilespmem:$0x1C000] =	vst v63  }
0x80: {  	_ =	swait.ge [sflag:s13], $0x2800  }
0x81: {  	[sflag:s13] =	ssyncset.done $0x0  }
0x82: {  	[sflag:s13] =	ssyncadd.s32 $0xFFFFD800  }
0x83: {  	s0 =	stileid.u32;
	s3 =	sadd.s32 $0x1, s3  }
0x84: {  	[bflag:$0x0] =	sbarrier.arrive $0xFFFF;
	s0 =	sshll.u32 s0, $0x6;
	p0 =	sne.s32 s3, s11  }
.Ltmp5:
0x85: {  	s2 =	sshrl.u32 s8, $0x3;
	s0 =	sor.u32 $0x1C03, s0;
	(pc) =	sbr.rel @p0 .LBB2_1-.Ltmp5, $4  }
0x86: {  	[hbm:s10], [sflag:s0] =	dma.local [spmem:s2], $0x2780  }
0x87: {  	_ =	swait.ge [sflag:s13], $0x2780  }
0x88: {  	[sflag:s13] =	ssyncset.done $0x0  }
0x89: {  	[sflag:s13] =	ssyncadd.s32 $0xFFFFD880  }
0x8a: {  	_ =	sfence.sel $0x180000  }
0x8b: {  	[bflag:$0x0] =	sbarrier.arrive $0xFFFF  }
0x8c: {  	_ =	strace $0x90000047  }
0x8d: {  	s0 =	stileid.u32;
	[bflag:$0x2] =	sbarrier.arrive $0xFFFF  }
0x8e: {  	p0 =	sne.s32 s0, $0x0;
	s0 =	rddreg [dreg:$0x2]  }
0x8f: {  	s0 =	sadd.s32 @!p0 $0x100000, s0  }
0x90: {  	[sflag:s0] =	ssyncadd.tile.s32 @!p0 $0x1;
	_ =	shalt  }
.Lfunc_end2:
_tile_overlayer_lowered:
.L_overlay_start_2:
0x91: {  	(tag) =	ssettag $0x2  }
0x92: {  	s0 =	rddreg [dreg:$0x0];
	s2 =	stileid.u32  }
0x93: {  	s1 =	rddreg [dreg:$0x1];
	p0 =	sne.s32 s2, $0x0  }
0x94: {  	s3 =	rddreg [dreg:$0x2];
	[bflag:$0x3] =	sbarrier.arrive $0xFFFF;
	s2 =	simm.s32 @!p0 $0x1C03  }
0x95: {  	[timem:s3], [sflag:s2] =	dma.local @!p0 [hbm:s0], s1  }
0x96: {  	s0 =	simm.s32 @!p0 $0x3  }
0x97: {  	_ =	swait.ge @!p0 [sflag:s0], s1  }
0x98: {  	s1 =	ssub.s32 @!p0 $0x0, s1;
	[sflag:s0] =	ssyncset.done @!p0 $0x0  }
0x99: {  	[sflag:s0] =	ssyncadd.s32 @!p0 s1  }
0x9a: {  	[bflag:$0x3] =	sbarrier.arrive $0xFFFF  }
0x9b: {  	_ =	shalt  }

</sc_bundles>
